<compile_context>
chip_gen: v7x
topology: tpu7x:2x2x1
jax: 0.10.2.dev20260603
libtpu: 0.0.44.dev20260713+nightly
codegen_flags: <defaults>
</compile_context>

<pallas_src>
import numpy as np
import jax
import jax.numpy as jnp
from jax.experimental import pallas as pl
from jax.experimental.pallas import tpu as pltpu

_NUM_A = 9
_PRE = 6000
_POST = 300
_T = 0.7
_BLK = 128
_NBLK = 47
_PAD = _NBLK * _BLK
_KCAP = 304


def _anchor_params():
    base = np.array([1.0, 1.0, 16.0, 16.0]) - 1
    w = base[2] - base[0] + 1
    h = base[3] - base[1] + 1
    x_ctr = base[0] + 0.5 * (w - 1)
    y_ctr = base[1] + 0.5 * (h - 1)
    size = w * h
    ratio_anchors = []
    for r in (0.5, 1.0, 2.0):
        ws = np.round(np.sqrt(size / r))
        hs = np.round(ws * r)
        ratio_anchors.append((x_ctr - 0.5 * (ws - 1), y_ctr - 0.5 * (hs - 1),
                              x_ctr + 0.5 * (ws - 1), y_ctr + 0.5 * (hs - 1)))
    rows = []
    for (x1, y1, x2, y2) in ratio_anchors:
        aw = x2 - x1 + 1
        ah = y2 - y1 + 1
        xc = x1 + 0.5 * (aw - 1)
        yc = y1 + 0.5 * (ah - 1)
        for s in (8.0, 16.0, 32.0):
            ws = aw * s
            hs = ah * s
            rows.append((xc - 0.5 * (ws - 1), yc - 0.5 * (hs - 1),
                         xc + 0.5 * (ws - 1), yc + 0.5 * (hs - 1)))
    tab = np.array(rows, dtype=np.float32)
    ax1 = tab[:, 0]
    ay1 = tab[:, 1]
    aw = tab[:, 2] - tab[:, 0] + np.float32(1.0)
    ah = tab[:, 3] - tab[:, 1] + np.float32(1.0)
    return ([float(v) for v in ax1], [float(v) for v in ay1],
            [float(v) for v in aw], [float(v) for v in ah])

_AX1, _AY1, _AW, _AH = _anchor_params()


def _nms_kernel(info_ref, dx_ref, dy_ref, dw_ref, dh_ref, nf_ref,
                out_ref, iou_s, kept_s, blk_s):
    b = pl.program_id(0)
    hm1 = info_ref[b, 0] - 1.0
    wm1 = info_ref[b, 1] - 1.0
    lanei = jax.lax.broadcasted_iota(jnp.int32, (1, _BLK), 1)
    sub_k = jax.lax.broadcasted_iota(jnp.int32, (_KCAP, 1), 0)

    def block_body(state):
        blk, kc = state
        dx = dx_ref[0, pl.ds(blk, 1), :]
        dy = dy_ref[0, pl.ds(blk, 1), :]
        dw = dw_ref[0, pl.ds(blk, 1), :]
        dh = dh_ref[0, pl.ds(blk, 1), :]
        nf = nf_ref[0, pl.ds(blk, 1), :]

        k = jnp.floor(nf / 9.0)
        a = nf - 9.0 * k
        yq = jnp.floor(k / 64.0)
        xq = k - 64.0 * yq
        sx = xq * 16.0
        sy = yq * 16.0
        ax1 = jnp.zeros_like(nf)
        ay1 = jnp.zeros_like(nf)
        aw = jnp.zeros_like(nf)
        ah = jnp.zeros_like(nf)
        for j in range(_NUM_A):
            sel = a == float(j)
            ax1 = jnp.where(sel, _AX1[j], ax1)
            ay1 = jnp.where(sel, _AY1[j], ay1)
            aw = jnp.where(sel, _AW[j], aw)
            ah = jnp.where(sel, _AH[j], ah)
        x1b = ax1 + sx
        y1b = ay1 + sy
        ctrx = x1b + 0.5 * aw
        ctry = y1b + 0.5 * ah
        pcx = dx * aw + ctrx
        pcy = dy * ah + ctry
        pw = jnp.exp(dw) * aw
        ph = jnp.exp(dh) * ah
        px1 = jnp.clip(pcx - 0.5 * pw, 0.0, wm1)
        py1 = jnp.clip(pcy - 0.5 * ph, 0.0, hm1)
        px2 = jnp.clip(pcx + 0.5 * pw, 0.0, wm1)
        py2 = jnp.clip(pcy + 0.5 * ph, 0.0, hm1)
        area = (px2 - px1 + 1.0) * (py2 - py1 + 1.0)

        validf = jnp.where(blk * _BLK + lanei < _PRE, 0.0, 1.0)

        kx1 = kept_s[:, 0:1]
        ky1 = kept_s[:, 1:2]
        kx2 = kept_s[:, 2:3]
        ky2 = kept_s[:, 3:4]
        kar = kept_s[:, 4:5]
        xx1 = jnp.maximum(kx1, px1)
        yy1 = jnp.maximum(ky1, py1)
        xx2 = jnp.minimum(kx2, px2)
        yy2 = jnp.minimum(ky2, py2)
        iw = jnp.maximum(0.0, xx2 - xx1 + 1.0)
        ih = jnp.maximum(0.0, yy2 - yy1 + 1.0)
        inter = iw * ih
        iouc = inter / (kar + area - inter)
        hit = jnp.where((iouc > _T) & (sub_k < kc), 1.0, 0.0)
        supc = jnp.max(hit, axis=0, keepdims=True)
        sup0 = jnp.maximum(supc, validf)

        tx1 = jnp.transpose(px1)
        ty1 = jnp.transpose(py1)
        tx2 = jnp.transpose(px2)
        ty2 = jnp.transpose(py2)
        tar = jnp.transpose(area)
        blk_s[:, 0:1] = tx1
        blk_s[:, 1:2] = ty1
        blk_s[:, 2:3] = tx2
        blk_s[:, 3:4] = ty2
        blk_s[:, 4:5] = tar
        bx1 = jnp.maximum(tx1, px1)
        by1 = jnp.maximum(ty1, py1)
        bx2 = jnp.minimum(tx2, px2)
        by2 = jnp.minimum(ty2, py2)
        bw = jnp.maximum(0.0, bx2 - bx1 + 1.0)
        bh = jnp.maximum(0.0, by2 - by1 + 1.0)
        binter = bw * bh
        iou_s[:, :] = binter / (tar + area - binter)

        def scond(st):
            i, kc2, _ = st
            return (i < _BLK) & (kc2 < _POST)

        def sbody(st):
            i, kc2, sup = st
            s_i = jnp.sum(jnp.where(lanei == i, sup, 0.0))
            keep = s_i < 0.5

            @pl.when(keep)
            def _():
                kept_s[pl.ds(kc2, 1), 0:5] = blk_s[pl.ds(i, 1), 0:5]

            row = iou_s[pl.ds(i, 1), :]
            newsup = jnp.maximum(
                sup, jnp.where((row > _T) & (lanei > i), 1.0, 0.0))
            sup = jnp.where(keep, newsup, sup)
            kc2 = kc2 + jnp.where(keep, jnp.int32(1), jnp.int32(0))
            return i + jnp.int32(1), kc2, sup

        _, kc_new, _ = jax.lax.while_loop(
            scond, sbody, (jnp.int32(0), kc, sup0))
        return blk + jnp.int32(1), kc_new

    def ocond(state):
        blk, kc = state
        return (blk < _NBLK) & (kc < _POST)

    _, kc = jax.lax.while_loop(ocond, block_body, (jnp.int32(0), jnp.int32(0)))

    bf = jnp.zeros((), jnp.float32) + b.astype(jnp.float32)
    bcol = jnp.zeros((_KCAP, 1), jnp.float32) + bf
    coords = jnp.where(sub_k < kc, kept_s[:, 0:4], 0.0)
    out_ref[0, :, :] = jnp.concatenate(
        [bcol, coords, jnp.zeros((_KCAP, 123), jnp.float32)], axis=1)


def kernel(scores, bbox_deltas, im_info):
    B = scores.shape[0]
    fg = scores[:, _NUM_A:, :, :]
    sc = jnp.transpose(fg, (0, 2, 3, 1)).reshape(B, -1)
    deltas = jnp.transpose(bbox_deltas, (0, 2, 3, 1)).reshape(B, -1, 4)
    _, idx = jax.lax.top_k(sc, _PAD)
    d = jnp.take_along_axis(deltas, idx[..., None], axis=1)
    nf = idx.astype(jnp.float32)
    dx = d[..., 0].reshape(B, _NBLK, _BLK)
    dy = d[..., 1].reshape(B, _NBLK, _BLK)
    dw = d[..., 2].reshape(B, _NBLK, _BLK)
    dh = d[..., 3].reshape(B, _NBLK, _BLK)
    nf = nf.reshape(B, _NBLK, _BLK)

    blkspec = pl.BlockSpec((1, _NBLK, _BLK), lambda b: (b, 0, 0))
    out = pl.pallas_call(
        _nms_kernel,
        grid=(B,),
        in_specs=[
            pl.BlockSpec(memory_space=pltpu.SMEM),
            blkspec, blkspec, blkspec, blkspec, blkspec,
        ],
        out_specs=pl.BlockSpec((1, _KCAP, 128), lambda b: (b, 0, 0)),
        out_shape=jax.ShapeDtypeStruct((B, _KCAP, 128), jnp.float32),
        scratch_shapes=[
            pltpu.VMEM((_BLK, _BLK), jnp.float32),
            pltpu.VMEM((_KCAP, 8), jnp.float32),
            pltpu.VMEM((_BLK, 8), jnp.float32),
        ],
        compiler_params=pltpu.CompilerParams(
            dimension_semantics=("parallel",)),
    )(im_info, dx, dy, dw, dh, nf)
    return out[:, :_POST, :5]

# --- scband reference (transcript-rebuilt; emitter-appended) ---
"""Pipeline reference for scband-proposal-layer-33097017982976 (READ-ONLY COPY).

The authoritative reference and input builder live on the scoring server;
editing this copy changes nothing except your own understanding.
"""

import jax, jax.numpy as jnp
import numpy as np

FEAT_STRIDE = 16
SCALES = np.array([8.0, 16.0, 32.0])
RATIOS = np.array([0.5, 1.0, 2.0])
PRE_NMS_TOPN = 6000
POST_NMS_TOPN = 300
NMS_THRESH = 0.7


def _whctrs(anchor):
    w = anchor[2] - anchor[0] + 1
    h = anchor[3] - anchor[1] + 1
    x_ctr = anchor[0] + 0.5 * (w - 1)
    y_ctr = anchor[1] + 0.5 * (h - 1)
    return w, h, x_ctr, y_ctr


def _mkanchors(ws, hs, x_ctr, y_ctr):
    ws = ws[:, np.newaxis]
    hs = hs[:, np.newaxis]
    return np.hstack((x_ctr - 0.5 * (ws - 1), y_ctr - 0.5 * (hs - 1),
                      x_ctr + 0.5 * (ws - 1), y_ctr + 0.5 * (hs - 1)))


def _ratio_enum(anchor, ratios):
    w, h, x_ctr, y_ctr = _whctrs(anchor)
    size = w * h
    size_ratios = size / ratios
    ws = np.round(np.sqrt(size_ratios))
    hs = np.round(ws * ratios)
    return _mkanchors(ws, hs, x_ctr, y_ctr)


def _scale_enum(anchor, scales):
    w, h, x_ctr, y_ctr = _whctrs(anchor)
    ws = w * scales
    hs = h * scales
    return _mkanchors(ws, hs, x_ctr, y_ctr)


def generate_anchors(base_size=16, ratios=RATIOS, scales=SCALES):
    base_anchor = np.array([1.0, 1.0, base_size, base_size]) - 1
    ratio_anchors = _ratio_enum(base_anchor, ratios)
    anchors = np.vstack([_scale_enum(ratio_anchors[i, :], scales)
                         for i in range(ratio_anchors.shape[0])])
    return anchors.astype(np.float32)

_ANCHORS = jnp.asarray(generate_anchors())
_NUM_ANCHORS = _ANCHORS.shape[0]


def _bbox_transform_inv(boxes, deltas):
    widths = boxes[:, :, 2] - boxes[:, :, 0] + 1.0
    heights = boxes[:, :, 3] - boxes[:, :, 1] + 1.0
    ctr_x = boxes[:, :, 0] + 0.5 * widths
    ctr_y = boxes[:, :, 1] + 0.5 * heights
    dx = deltas[:, :, 0]
    dy = deltas[:, :, 1]
    dw = deltas[:, :, 2]
    dh = deltas[:, :, 3]
    pred_ctr_x = dx * widths + ctr_x
    pred_ctr_y = dy * heights + ctr_y
    pred_w = jnp.exp(dw) * widths
    pred_h = jnp.exp(dh) * heights
    return jnp.stack([pred_ctr_x - 0.5 * pred_w,
                      pred_ctr_y - 0.5 * pred_h,
                      pred_ctr_x + 0.5 * pred_w,
                      pred_ctr_y + 0.5 * pred_h], axis=2)


def _clip_boxes(boxes, im_info):
    x1 = jnp.clip(boxes[:, :, 0], 0.0, im_info[:, 1:2] - 1.0)
    y1 = jnp.clip(boxes[:, :, 1], 0.0, im_info[:, 0:1] - 1.0)
    x2 = jnp.clip(boxes[:, :, 2], 0.0, im_info[:, 1:2] - 1.0)
    y2 = jnp.clip(boxes[:, :, 3], 0.0, im_info[:, 0:1] - 1.0)
    return jnp.stack([x1, y1, x2, y2], axis=2)


def _nms_keep(boxes, thresh):
    n = boxes.shape[0]
    x1, y1, x2, y2 = boxes[:, 0], boxes[:, 1], boxes[:, 2], boxes[:, 3]
    areas = (x2 - x1 + 1.0) * (y2 - y1 + 1.0)
    xx1 = jnp.maximum(x1[:, None], x1[None, :])
    yy1 = jnp.maximum(y1[:, None], y1[None, :])
    xx2 = jnp.minimum(x2[:, None], x2[None, :])
    yy2 = jnp.minimum(y2[:, None], y2[None, :])
    w = jnp.maximum(0.0, xx2 - xx1 + 1.0)
    h = jnp.maximum(0.0, yy2 - yy1 + 1.0)
    inter = w * h
    iou = inter / (areas[:, None] + areas[None, :] - inter)
    idx = jnp.arange(n)
    def body(i, suppressed):
        row = (iou[i] > thresh) & (idx > i) & jnp.logical_not(suppressed[i])
        return suppressed | row
    suppressed = jax.lax.fori_loop(0, n, body, jnp.zeros((n,), dtype=bool))
    return jnp.logical_not(suppressed)


def _forward(scores, bbox_deltas, im_info):
    B = scores.shape[0]
    A = _NUM_ANCHORS
    fg_scores = scores[:, A:, :, :]
    fh, fw = fg_scores.shape[2], fg_scores.shape[3]
    shift_x = jnp.arange(fw, dtype=jnp.float32) * FEAT_STRIDE
    shift_y = jnp.arange(fh, dtype=jnp.float32) * FEAT_STRIDE
    sx, sy = jnp.meshgrid(shift_x, shift_y)
    shifts = jnp.stack([sx.ravel(), sy.ravel(), sx.ravel(), sy.ravel()], axis=1)
    K = shifts.shape[0]
    anchors = _ANCHORS.reshape(1, A, 4) + shifts.reshape(K, 1, 4)
    anchors = jnp.broadcast_to(anchors.reshape(1, K * A, 4), (B, K * A, 4))
    deltas = jnp.transpose(bbox_deltas, (0, 2, 3, 1)).reshape(B, -1, 4)
    sc = jnp.transpose(fg_scores, (0, 2, 3, 1)).reshape(B, -1)
    proposals = _clip_boxes(_bbox_transform_inv(anchors, deltas), im_info)
    order = jnp.argsort(-sc, axis=1)
    outs = []
    for i in range(B):
        order_i = order[i, :PRE_NMS_TOPN]
        props_i = proposals[i][order_i, :]
        keep = _nms_keep(jax.lax.stop_gradient(props_i), NMS_THRESH)
        kept_idx = jnp.nonzero(keep, size=POST_NMS_TOPN, fill_value=0)[0]
        num_kept = jnp.sum(keep)
        valid = jnp.arange(POST_NMS_TOPN) < jnp.minimum(num_kept, POST_NMS_TOPN)
        sel = props_i[kept_idx, :]
        sel = jnp.where(valid[:, None], sel, 0.0)
        batch_col = jnp.full((POST_NMS_TOPN, 1), float(i), dtype=jnp.float32)
        outs.append(jnp.concatenate([batch_col, sel], axis=1))
    return jnp.stack(outs, axis=0)


def setup_inputs(seed: int = 0) -> dict:
    key = jax.random.key(seed)
    k1, k2 = jax.random.split(key)
    scores = jax.random.uniform(k1, (4, 18, 64, 64), dtype=jnp.float32)
    bbox_deltas = jax.random.normal(k2, (4, 36, 64, 64), dtype=jnp.float32)
    im_info = jnp.tile(jnp.array([[1024.0, 1024.0, 1.0]], dtype=jnp.float32), (4, 1))
    return {"scores": scores, "bbox_deltas": bbox_deltas, "im_info": im_info}


def reference(scores, bbox_deltas, im_info):
    return _forward(scores, bbox_deltas, im_info)

if __name__ == "__main__":
    import jax
    _d = setup_inputs()
    print(jax.jit(kernel)(*tuple(_d.values())))

</pallas_src>

<mosaic_0001>
module attributes {stable_mosaic.version = 14 : i64} {
  func.func @_nms_kernel(%arg0: i32, %arg1: memref<4x3xf32, #tpu.memory_space<smem>>, %arg2: memref<1x47x128xf32, #tpu.memory_space<vmem>>, %arg3: memref<1x47x128xf32, #tpu.memory_space<vmem>>, %arg4: memref<1x47x128xf32, #tpu.memory_space<vmem>>, %arg5: memref<1x47x128xf32, #tpu.memory_space<vmem>>, %arg6: memref<1x47x128xf32, #tpu.memory_space<vmem>>, %arg7: memref<1x304x128xf32, #tpu.memory_space<vmem>>, %arg8: memref<128x128xf32, #tpu.memory_space<vmem>>, %arg9: memref<304x8xf32, #tpu.memory_space<vmem>>, %arg10: memref<128x8xf32, #tpu.memory_space<vmem>>) attributes {dimension_semantics = [#tpu.dimension_semantics<parallel>], iteration_bounds = array<i64: 4>, scalar_prefetch = 0 : i64, scratch_operands = 3 : i64, tpu.core_type = #tpu.core_type<tc>, window_params = [{transform_indices = @transform_0, window_bounds = array<i64: 4, 3>}, {transform_indices = @transform_1, window_bounds = array<i64: 1, 47, 128>}, {transform_indices = @transform_2, window_bounds = array<i64: 1, 47, 128>}, {transform_indices = @transform_3, window_bounds = array<i64: 1, 47, 128>}, {transform_indices = @transform_4, window_bounds = array<i64: 1, 47, 128>}, {transform_indices = @transform_5, window_bounds = array<i64: 1, 47, 128>}, {transform_indices = @transform_6, window_bounds = array<i64: 1, 304, 128>}]} {
    %get3A = arith.index_cast %arg0 : i32 to index
    %get3A_0 = arith.constant 0 : index
    %get3A_1 = memref.load %arg1[%get3A, %get3A_0] : memref<4x3xf32, #tpu.memory_space<smem>>
    %sub3A = arith.constant 1.000000e+00 : f32
    %sub3A_2 = arith.subf %get3A_1, %sub3A : f32
    %get3A_3 = arith.index_cast %arg0 : i32 to index
    %get3A_4 = arith.constant 1 : index
    %get3A_5 = memref.load %arg1[%get3A_3, %get3A_4] : memref<4x3xf32, #tpu.memory_space<smem>>
    %sub3A_6 = arith.constant 1.000000e+00 : f32
    %sub3A_7 = arith.subf %get3A_5, %sub3A_6 : f32
    %iota3A = tpu.iota {dimensions = array<i32: 1>} : vector<1x128xi32>
    %iota3A_8 = tpu.iota {dimensions = array<i32: 0>} : vector<304x1xi32>
    %while3A = arith.constant 0 : i32
    %while3A_9 = arith.constant 0 : i32
    %while3A_10:2 = scf.while (%while3A_29 = %while3A, %while3A_30 = %while3A_9) : (i32, i32) -> (i32, i32) {
      %lt3A_31 = arith.constant 47 : i32
      %lt3A_32 = arith.cmpi slt, %while3A_29, %lt3A_31 : i32
      %lt3A_33 = arith.constant 300 : i32
      %lt3A_34 = arith.cmpi slt, %while3A_30, %lt3A_33 : i32
      %and3A = arith.andi %lt3A_32, %lt3A_34 : i1
      scf.condition(%and3A) %while3A_29, %while3A_30 : i32, i32
    } do {
    ^bb0(%while3A_29: i32, %while3A_30: i32):
      %get3A_31 = arith.constant 0 : index
      %get3A_32 = arith.index_cast %while3A_29 : i32 to index
      %get3A_33 = arith.constant 0 : index
      %get3A_34 = vector.load %arg2[%get3A_31, %get3A_32, %get3A_33] : memref<1x47x128xf32, #tpu.memory_space<vmem>>, vector<1x1x128xf32>
      %get3A_35 = vector.shape_cast %get3A_34 : vector<1x1x128xf32> to vector<1x128xf32>
      %get3A_36 = arith.constant 0 : index
      %get3A_37 = arith.index_cast %while3A_29 : i32 to index
      %get3A_38 = arith.constant 0 : index
      %get3A_39 = vector.load %arg3[%get3A_36, %get3A_37, %get3A_38] : memref<1x47x128xf32, #tpu.memory_space<vmem>>, vector<1x1x128xf32>
      %get3A_40 = vector.shape_cast %get3A_39 : vector<1x1x128xf32> to vector<1x128xf32>
      %get3A_41 = arith.constant 0 : index
      %get3A_42 = arith.index_cast %while3A_29 : i32 to index
      %get3A_43 = arith.constant 0 : index
      %get3A_44 = vector.load %arg4[%get3A_41, %get3A_42, %get3A_43] : memref<1x47x128xf32, #tpu.memory_space<vmem>>, vector<1x1x128xf32>
      %get3A_45 = vector.shape_cast %get3A_44 : vector<1x1x128xf32> to vector<1x128xf32>
      %get3A_46 = arith.constant 0 : index
      %get3A_47 = arith.index_cast %while3A_29 : i32 to index
      %get3A_48 = arith.constant 0 : index
      %get3A_49 = vector.load %arg5[%get3A_46, %get3A_47, %get3A_48] : memref<1x47x128xf32, #tpu.memory_space<vmem>>, vector<1x1x128xf32>
      %get3A_50 = vector.shape_cast %get3A_49 : vector<1x1x128xf32> to vector<1x128xf32>
      %get3A_51 = arith.constant 0 : index
      %get3A_52 = arith.index_cast %while3A_29 : i32 to index
      %get3A_53 = arith.constant 0 : index
      %get3A_54 = vector.load %arg6[%get3A_51, %get3A_52, %get3A_53] : memref<1x47x128xf32, #tpu.memory_space<vmem>>, vector<1x1x128xf32>
      %get3A_55 = vector.shape_cast %get3A_54 : vector<1x1x128xf32> to vector<1x128xf32>
      %div3A = arith.constant 9.000000e+00 : f32
      %div3A_56 = vector.broadcast %div3A : f32 to vector<1x128xf32>
      %div3A_57 = arith.divf %get3A_55, %div3A_56 : vector<1x128xf32>
      %floor3A = math.floor %div3A_57 : vector<1x128xf32>
      %mul3A = arith.constant 9.000000e+00 : f32
      %mul3A_58 = vector.broadcast %mul3A : f32 to vector<1x128xf32>
      %mul3A_59 = arith.mulf %mul3A_58, %floor3A : vector<1x128xf32>
      %sub3A_60 = arith.subf %get3A_55, %mul3A_59 : vector<1x128xf32>
      %div3A_61 = arith.constant 6.400000e+01 : f32
      %div3A_62 = vector.broadcast %div3A_61 : f32 to vector<1x128xf32>
      %div3A_63 = arith.divf %floor3A, %div3A_62 : vector<1x128xf32>
      %floor3A_64 = math.floor %div3A_63 : vector<1x128xf32>
      %mul3A_65 = arith.constant 6.400000e+01 : f32
      %mul3A_66 = vector.broadcast %mul3A_65 : f32 to vector<1x128xf32>
      %mul3A_67 = arith.mulf %mul3A_66, %floor3A_64 : vector<1x128xf32>
      %sub3A_68 = arith.subf %floor3A, %mul3A_67 : vector<1x128xf32>
      %mul3A_69 = arith.constant 1.600000e+01 : f32
      %mul3A_70 = vector.broadcast %mul3A_69 : f32 to vector<1x128xf32>
      %mul3A_71 = arith.mulf %sub3A_68, %mul3A_70 : vector<1x128xf32>
      %mul3A_72 = arith.constant 1.600000e+01 : f32
      %mul3A_73 = vector.broadcast %mul3A_72 : f32 to vector<1x128xf32>
      %mul3A_74 = arith.mulf %floor3A_64, %mul3A_73 : vector<1x128xf32>
      %broadcast_in_dim3A_75 = arith.constant 0.000000e+00 : f32
      %broadcast_in_dim3A_76 = vector.broadcast %broadcast_in_dim3A_75 : f32 to vector<1x128xf32>
      %broadcast_in_dim3A_77 = arith.constant 0.000000e+00 : f32
      %broadcast_in_dim3A_78 = vector.broadcast %broadcast_in_dim3A_77 : f32 to vector<1x128xf32>
      %broadcast_in_dim3A_79 = arith.constant 0.000000e+00 : f32
      %broadcast_in_dim3A_80 = vector.broadcast %broadcast_in_dim3A_79 : f32 to vector<1x128xf32>
      %broadcast_in_dim3A_81 = arith.constant 0.000000e+00 : f32
      %broadcast_in_dim3A_82 = vector.broadcast %broadcast_in_dim3A_81 : f32 to vector<1x128xf32>
      %eq3A = arith.constant 0.000000e+00 : f32
      %eq3A_83 = vector.broadcast %eq3A : f32 to vector<1x128xf32>
      %eq3A_84 = arith.cmpf oeq, %sub3A_60, %eq3A_83 : vector<1x128xf32>
      %jit3A_85 = arith.constant -8.400000e+01 : f32
      %broadcast_in_dim3A_86 = vector.broadcast %jit3A_85 : f32 to vector<1x128xf32>
      %select_n3A_87 = arith.select %eq3A_84, %broadcast_in_dim3A_86, %broadcast_in_dim3A_76 : vector<1x128xi1>, vector<1x128xf32>
      %jit3A_88 = arith.constant -4.000000e+01 : f32
      %broadcast_in_dim3A_89 = vector.broadcast %jit3A_88 : f32 to vector<1x128xf32>
      %select_n3A_90 = arith.select %eq3A_84, %broadcast_in_dim3A_89, %broadcast_in_dim3A_78 : vector<1x128xi1>, vector<1x128xf32>
      %jit3A_91 = arith.constant 1.840000e+02 : f32
      %broadcast_in_dim3A_92 = vector.broadcast %jit3A_91 : f32 to vector<1x128xf32>
      %select_n3A_93 = arith.select %eq3A_84, %broadcast_in_dim3A_92, %broadcast_in_dim3A_80 : vector<1x128xi1>, vector<1x128xf32>
      %jit3A_94 = arith.constant 9.600000e+01 : f32
      %broadcast_in_dim3A_95 = vector.broadcast %jit3A_94 : f32 to vector<1x128xf32>
      %select_n3A_96 = arith.select %eq3A_84, %broadcast_in_dim3A_95, %broadcast_in_dim3A_82 : vector<1x128xi1>, vector<1x128xf32>
      %eq3A_97 = arith.constant 1.000000e+00 : f32
      %eq3A_98 = vector.broadcast %eq3A_97 : f32 to vector<1x128xf32>
      %eq3A_99 = arith.cmpf oeq, %sub3A_60, %eq3A_98 : vector<1x128xf32>
      %jit3A_100 = arith.constant -1.760000e+02 : f32
      %broadcast_in_dim3A_101 = vector.broadcast %jit3A_100 : f32 to vector<1x128xf32>
      %select_n3A_102 = arith.select %eq3A_99, %broadcast_in_dim3A_101, %select_n3A_87 : vector<1x128xi1>, vector<1x128xf32>
      %jit3A_103 = arith.constant -8.800000e+01 : f32
      %broadcast_in_dim3A_104 = vector.broadcast %jit3A_103 : f32 to vector<1x128xf32>
      %select_n3A_105 = arith.select %eq3A_99, %broadcast_in_dim3A_104, %select_n3A_90 : vector<1x128xi1>, vector<1x128xf32>
      %jit3A_106 = arith.constant 3.680000e+02 : f32
      %broadcast_in_dim3A_107 = vector.broadcast %jit3A_106 : f32 to vector<1x128xf32>
      %select_n3A_108 = arith.select %eq3A_99, %broadcast_in_dim3A_107, %select_n3A_93 : vector<1x128xi1>, vector<1x128xf32>
      %jit3A_109 = arith.constant 1.920000e+02 : f32
      %broadcast_in_dim3A_110 = vector.broadcast %jit3A_109 : f32 to vector<1x128xf32>
      %select_n3A_111 = arith.select %eq3A_99, %broadcast_in_dim3A_110, %select_n3A_96 : vector<1x128xi1>, vector<1x128xf32>
      %eq3A_112 = arith.constant 2.000000e+00 : f32
      %eq3A_113 = vector.broadcast %eq3A_112 : f32 to vector<1x128xf32>
      %eq3A_114 = arith.cmpf oeq, %sub3A_60, %eq3A_113 : vector<1x128xf32>
      %jit3A_115 = arith.constant -3.600000e+02 : f32
      %broadcast_in_dim3A_116 = vector.broadcast %jit3A_115 : f32 to vector<1x128xf32>
      %select_n3A_117 = arith.select %eq3A_114, %broadcast_in_dim3A_116, %select_n3A_102 : vector<1x128xi1>, vector<1x128xf32>
      %jit3A_118 = arith.constant -1.840000e+02 : f32
      %broadcast_in_dim3A_119 = vector.broadcast %jit3A_118 : f32 to vector<1x128xf32>
      %select_n3A_120 = arith.select %eq3A_114, %broadcast_in_dim3A_119, %select_n3A_105 : vector<1x128xi1>, vector<1x128xf32>
      %jit3A_121 = arith.constant 7.360000e+02 : f32
      %broadcast_in_dim3A_122 = vector.broadcast %jit3A_121 : f32 to vector<1x128xf32>
      %select_n3A_123 = arith.select %eq3A_114, %broadcast_in_dim3A_122, %select_n3A_108 : vector<1x128xi1>, vector<1x128xf32>
      %jit3A_124 = arith.constant 3.840000e+02 : f32
      %broadcast_in_dim3A_125 = vector.broadcast %jit3A_124 : f32 to vector<1x128xf32>
      %select_n3A_126 = arith.select %eq3A_114, %broadcast_in_dim3A_125, %select_n3A_111 : vector<1x128xi1>, vector<1x128xf32>
      %eq3A_127 = arith.constant 3.000000e+00 : f32
      %eq3A_128 = vector.broadcast %eq3A_127 : f32 to vector<1x128xf32>
      %eq3A_129 = arith.cmpf oeq, %sub3A_60, %eq3A_128 : vector<1x128xf32>
      %jit3A_130 = arith.constant -5.600000e+01 : f32
      %broadcast_in_dim3A_131 = vector.broadcast %jit3A_130 : f32 to vector<1x128xf32>
      %select_n3A_132 = arith.select %eq3A_129, %broadcast_in_dim3A_131, %select_n3A_117 : vector<1x128xi1>, vector<1x128xf32>
      %jit3A_133 = arith.constant -5.600000e+01 : f32
      %broadcast_in_dim3A_134 = vector.broadcast %jit3A_133 : f32 to vector<1x128xf32>
      %select_n3A_135 = arith.select %eq3A_129, %broadcast_in_dim3A_134, %select_n3A_120 : vector<1x128xi1>, vector<1x128xf32>
      %jit3A_136 = arith.constant 1.280000e+02 : f32
      %broadcast_in_dim3A_137 = vector.broadcast %jit3A_136 : f32 to vector<1x128xf32>
      %select_n3A_138 = arith.select %eq3A_129, %broadcast_in_dim3A_137, %select_n3A_123 : vector<1x128xi1>, vector<1x128xf32>
      %jit3A_139 = arith.constant 1.280000e+02 : f32
      %broadcast_in_dim3A_140 = vector.broadcast %jit3A_139 : f32 to vector<1x128xf32>
      %select_n3A_141 = arith.select %eq3A_129, %broadcast_in_dim3A_140, %select_n3A_126 : vector<1x128xi1>, vector<1x128xf32>
      %eq3A_142 = arith.constant 4.000000e+00 : f32
      %eq3A_143 = vector.broadcast %eq3A_142 : f32 to vector<1x128xf32>
      %eq3A_144 = arith.cmpf oeq, %sub3A_60, %eq3A_143 : vector<1x128xf32>
      %jit3A_145 = arith.constant -1.200000e+02 : f32
      %broadcast_in_dim3A_146 = vector.broadcast %jit3A_145 : f32 to vector<1x128xf32>
      %select_n3A_147 = arith.select %eq3A_144, %broadcast_in_dim3A_146, %select_n3A_132 : vector<1x128xi1>, vector<1x128xf32>
      %jit3A_148 = arith.constant -1.200000e+02 : f32
      %broadcast_in_dim3A_149 = vector.broadcast %jit3A_148 : f32 to vector<1x128xf32>
      %select_n3A_150 = arith.select %eq3A_144, %broadcast_in_dim3A_149, %select_n3A_135 : vector<1x128xi1>, vector<1x128xf32>
      %jit3A_151 = arith.constant 2.560000e+02 : f32
      %broadcast_in_dim3A_152 = vector.broadcast %jit3A_151 : f32 to vector<1x128xf32>
      %select_n3A_153 = arith.select %eq3A_144, %broadcast_in_dim3A_152, %select_n3A_138 : vector<1x128xi1>, vector<1x128xf32>
      %jit3A_154 = arith.constant 2.560000e+02 : f32
      %broadcast_in_dim3A_155 = vector.broadcast %jit3A_154 : f32 to vector<1x128xf32>
      %select_n3A_156 = arith.select %eq3A_144, %broadcast_in_dim3A_155, %select_n3A_141 : vector<1x128xi1>, vector<1x128xf32>
      %eq3A_157 = arith.constant 5.000000e+00 : f32
      %eq3A_158 = vector.broadcast %eq3A_157 : f32 to vector<1x128xf32>
      %eq3A_159 = arith.cmpf oeq, %sub3A_60, %eq3A_158 : vector<1x128xf32>
      %jit3A_160 = arith.constant -2.480000e+02 : f32
      %broadcast_in_dim3A_161 = vector.broadcast %jit3A_160 : f32 to vector<1x128xf32>
      %select_n3A_162 = arith.select %eq3A_159, %broadcast_in_dim3A_161, %select_n3A_147 : vector<1x128xi1>, vector<1x128xf32>
      %jit3A_163 = arith.constant -2.480000e+02 : f32
      %broadcast_in_dim3A_164 = vector.broadcast %jit3A_163 : f32 to vector<1x128xf32>
      %select_n3A_165 = arith.select %eq3A_159, %broadcast_in_dim3A_164, %select_n3A_150 : vector<1x128xi1>, vector<1x128xf32>
      %jit3A_166 = arith.constant 5.120000e+02 : f32
      %broadcast_in_dim3A_167 = vector.broadcast %jit3A_166 : f32 to vector<1x128xf32>
      %select_n3A_168 = arith.select %eq3A_159, %broadcast_in_dim3A_167, %select_n3A_153 : vector<1x128xi1>, vector<1x128xf32>
      %jit3A_169 = arith.constant 5.120000e+02 : f32
      %broadcast_in_dim3A_170 = vector.broadcast %jit3A_169 : f32 to vector<1x128xf32>
      %select_n3A_171 = arith.select %eq3A_159, %broadcast_in_dim3A_170, %select_n3A_156 : vector<1x128xi1>, vector<1x128xf32>
      %eq3A_172 = arith.constant 6.000000e+00 : f32
      %eq3A_173 = vector.broadcast %eq3A_172 : f32 to vector<1x128xf32>
      %eq3A_174 = arith.cmpf oeq, %sub3A_60, %eq3A_173 : vector<1x128xf32>
      %jit3A_175 = arith.constant -3.600000e+01 : f32
      %broadcast_in_dim3A_176 = vector.broadcast %jit3A_175 : f32 to vector<1x128xf32>
      %select_n3A_177 = arith.select %eq3A_174, %broadcast_in_dim3A_176, %select_n3A_162 : vector<1x128xi1>, vector<1x128xf32>
      %jit3A_178 = arith.constant -8.000000e+01 : f32
      %broadcast_in_dim3A_179 = vector.broadcast %jit3A_178 : f32 to vector<1x128xf32>
      %select_n3A_180 = arith.select %eq3A_174, %broadcast_in_dim3A_179, %select_n3A_165 : vector<1x128xi1>, vector<1x128xf32>
      %jit3A_181 = arith.constant 8.800000e+01 : f32
      %broadcast_in_dim3A_182 = vector.broadcast %jit3A_181 : f32 to vector<1x128xf32>
      %select_n3A_183 = arith.select %eq3A_174, %broadcast_in_dim3A_182, %select_n3A_168 : vector<1x128xi1>, vector<1x128xf32>
      %jit3A_184 = arith.constant 1.760000e+02 : f32
      %broadcast_in_dim3A_185 = vector.broadcast %jit3A_184 : f32 to vector<1x128xf32>
      %select_n3A_186 = arith.select %eq3A_174, %broadcast_in_dim3A_185, %select_n3A_171 : vector<1x128xi1>, vector<1x128xf32>
      %eq3A_187 = arith.constant 7.000000e+00 : f32
      %eq3A_188 = vector.broadcast %eq3A_187 : f32 to vector<1x128xf32>
      %eq3A_189 = arith.cmpf oeq, %sub3A_60, %eq3A_188 : vector<1x128xf32>
      %jit3A_190 = arith.constant -8.000000e+01 : f32
      %broadcast_in_dim3A_191 = vector.broadcast %jit3A_190 : f32 to vector<1x128xf32>
      %select_n3A_192 = arith.select %eq3A_189, %broadcast_in_dim3A_191, %select_n3A_177 : vector<1x128xi1>, vector<1x128xf32>
      %jit3A_193 = arith.constant -1.680000e+02 : f32
      %broadcast_in_dim3A_194 = vector.broadcast %jit3A_193 : f32 to vector<1x128xf32>
      %select_n3A_195 = arith.select %eq3A_189, %broadcast_in_dim3A_194, %select_n3A_180 : vector<1x128xi1>, vector<1x128xf32>
      %jit3A_196 = arith.constant 1.760000e+02 : f32
      %broadcast_in_dim3A_197 = vector.broadcast %jit3A_196 : f32 to vector<1x128xf32>
      %select_n3A_198 = arith.select %eq3A_189, %broadcast_in_dim3A_197, %select_n3A_183 : vector<1x128xi1>, vector<1x128xf32>
      %jit3A_199 = arith.constant 3.520000e+02 : f32
      %broadcast_in_dim3A_200 = vector.broadcast %jit3A_199 : f32 to vector<1x128xf32>
      %select_n3A_201 = arith.select %eq3A_189, %broadcast_in_dim3A_200, %select_n3A_186 : vector<1x128xi1>, vector<1x128xf32>
      %eq3A_202 = arith.constant 8.000000e+00 : f32
      %eq3A_203 = vector.broadcast %eq3A_202 : f32 to vector<1x128xf32>
      %eq3A_204 = arith.cmpf oeq, %sub3A_60, %eq3A_203 : vector<1x128xf32>
      %jit3A_205 = arith.constant -1.680000e+02 : f32
      %broadcast_in_dim3A_206 = vector.broadcast %jit3A_205 : f32 to vector<1x128xf32>
      %select_n3A_207 = arith.select %eq3A_204, %broadcast_in_dim3A_206, %select_n3A_192 : vector<1x128xi1>, vector<1x128xf32>
      %jit3A_208 = arith.constant -3.440000e+02 : f32
      %broadcast_in_dim3A_209 = vector.broadcast %jit3A_208 : f32 to vector<1x128xf32>
      %select_n3A_210 = arith.select %eq3A_204, %broadcast_in_dim3A_209, %select_n3A_195 : vector<1x128xi1>, vector<1x128xf32>
      %jit3A_211 = arith.constant 3.520000e+02 : f32
      %broadcast_in_dim3A_212 = vector.broadcast %jit3A_211 : f32 to vector<1x128xf32>
      %select_n3A_213 = arith.select %eq3A_204, %broadcast_in_dim3A_212, %select_n3A_198 : vector<1x128xi1>, vector<1x128xf32>
      %jit3A_214 = arith.constant 7.040000e+02 : f32
      %broadcast_in_dim3A_215 = vector.broadcast %jit3A_214 : f32 to vector<1x128xf32>
      %select_n3A_216 = arith.select %eq3A_204, %broadcast_in_dim3A_215, %select_n3A_201 : vector<1x128xi1>, vector<1x128xf32>
      %add3A_217 = arith.addf %select_n3A_207, %mul3A_71 : vector<1x128xf32>
      %add3A_218 = arith.addf %select_n3A_210, %mul3A_74 : vector<1x128xf32>
      %mul3A_219 = arith.constant 5.000000e-01 : f32
      %mul3A_220 = vector.broadcast %mul3A_219 : f32 to vector<1x128xf32>
      %mul3A_221 = arith.mulf %mul3A_220, %select_n3A_213 : vector<1x128xf32>
      %add3A_222 = arith.addf %add3A_217, %mul3A_221 : vector<1x128xf32>
      %mul3A_223 = arith.constant 5.000000e-01 : f32
      %mul3A_224 = vector.broadcast %mul3A_223 : f32 to vector<1x128xf32>
      %mul3A_225 = arith.mulf %mul3A_224, %select_n3A_216 : vector<1x128xf32>
      %add3A_226 = arith.addf %add3A_218, %mul3A_225 : vector<1x128xf32>
      %mul3A_227 = arith.mulf %get3A_35, %select_n3A_213 : vector<1x128xf32>
      %add3A_228 = arith.addf %mul3A_227, %add3A_222 : vector<1x128xf32>
      %mul3A_229 = arith.mulf %get3A_40, %select_n3A_216 : vector<1x128xf32>
      %add3A_230 = arith.addf %mul3A_229, %add3A_226 : vector<1x128xf32>
      %exp3A = math.exp %get3A_45 : vector<1x128xf32>
      %mul3A_231 = arith.mulf %exp3A, %select_n3A_213 : vector<1x128xf32>
      %exp3A_232 = math.exp %get3A_50 : vector<1x128xf32>
      %mul3A_233 = arith.mulf %exp3A_232, %select_n3A_216 : vector<1x128xf32>
      %mul3A_234 = arith.constant 5.000000e-01 : f32
      %mul3A_235 = vector.broadcast %mul3A_234 : f32 to vector<1x128xf32>
      %mul3A_236 = arith.mulf %mul3A_235, %mul3A_231 : vector<1x128xf32>
      %sub3A_237 = arith.subf %add3A_228, %mul3A_236 : vector<1x128xf32>
      %jit3A_238 = arith.constant 0.000000e+00 : f32
      %max3A = vector.broadcast %jit3A_238 : f32 to vector<1x128xf32>
      %max3A_239 = arith.maximumf %max3A, %sub3A_237 : vector<1x128xf32>
      %min3A = vector.broadcast %sub3A_7 : f32 to vector<1x128xf32>
      %min3A_240 = arith.minimumf %min3A, %max3A_239 : vector<1x128xf32>
      %mul3A_241 = arith.constant 5.000000e-01 : f32
      %mul3A_242 = vector.broadcast %mul3A_241 : f32 to vector<1x128xf32>
      %mul3A_243 = arith.mulf %mul3A_242, %mul3A_233 : vector<1x128xf32>
      %sub3A_244 = arith.subf %add3A_230, %mul3A_243 : vector<1x128xf32>
      %jit3A_245 = arith.constant 0.000000e+00 : f32
      %max3A_246 = vector.broadcast %jit3A_245 : f32 to vector<1x128xf32>
      %max3A_247 = arith.maximumf %max3A_246, %sub3A_244 : vector<1x128xf32>
      %min3A_248 = vector.broadcast %sub3A_2 : f32 to vector<1x128xf32>
      %min3A_249 = arith.minimumf %min3A_248, %max3A_247 : vector<1x128xf32>
      %mul3A_250 = arith.constant 5.000000e-01 : f32
      %mul3A_251 = vector.broadcast %mul3A_250 : f32 to vector<1x128xf32>
      %mul3A_252 = arith.mulf %mul3A_251, %mul3A_231 : vector<1x128xf32>
      %add3A_253 = arith.addf %add3A_228, %mul3A_252 : vector<1x128xf32>
      %jit3A_254 = arith.constant 0.000000e+00 : f32
      %max3A_255 = vector.broadcast %jit3A_254 : f32 to vector<1x128xf32>
      %max3A_256 = arith.maximumf %max3A_255, %add3A_253 : vector<1x128xf32>
      %min3A_257 = vector.broadcast %sub3A_7 : f32 to vector<1x128xf32>
      %min3A_258 = arith.minimumf %min3A_257, %max3A_256 : vector<1x128xf32>
      %mul3A_259 = arith.constant 5.000000e-01 : f32
      %mul3A_260 = vector.broadcast %mul3A_259 : f32 to vector<1x128xf32>
      %mul3A_261 = arith.mulf %mul3A_260, %mul3A_233 : vector<1x128xf32>
      %add3A_262 = arith.addf %add3A_230, %mul3A_261 : vector<1x128xf32>
      %jit3A_263 = arith.constant 0.000000e+00 : f32
      %max3A_264 = vector.broadcast %jit3A_263 : f32 to vector<1x128xf32>
      %max3A_265 = arith.maximumf %max3A_264, %add3A_262 : vector<1x128xf32>
      %min3A_266 = vector.broadcast %sub3A_2 : f32 to vector<1x128xf32>
      %min3A_267 = arith.minimumf %min3A_266, %max3A_265 : vector<1x128xf32>
      %sub3A_268 = arith.subf %min3A_258, %min3A_240 : vector<1x128xf32>
      %add3A_269 = arith.constant 1.000000e+00 : f32
      %add3A_270 = vector.broadcast %add3A_269 : f32 to vector<1x128xf32>
      %add3A_271 = arith.addf %sub3A_268, %add3A_270 : vector<1x128xf32>
      %sub3A_272 = arith.subf %min3A_267, %min3A_249 : vector<1x128xf32>
      %add3A_273 = arith.constant 1.000000e+00 : f32
      %add3A_274 = vector.broadcast %add3A_273 : f32 to vector<1x128xf32>
      %add3A_275 = arith.addf %sub3A_272, %add3A_274 : vector<1x128xf32>
      %mul3A_276 = arith.mulf %add3A_271, %add3A_275 : vector<1x128xf32>
      %mul3A_277 = arith.constant 128 : i32
      %mul3A_278 = arith.muli %while3A_29, %mul3A_277 : i32
      %add3A_279 = vector.broadcast %mul3A_278 : i32 to vector<1x128xi32>
      %add3A_280 = arith.addi %add3A_279, %iota3A : vector<1x128xi32>
      %lt3A_281 = arith.constant 6000 : i32
      %lt3A_282 = vector.broadcast %lt3A_281 : i32 to vector<1x128xi32>
      %lt3A_283 = arith.cmpi slt, %add3A_280, %lt3A_282 : vector<1x128xi32>
      %jit3A_284 = arith.constant 0.000000e+00 : f32
      %jit3A_285 = arith.constant 1.000000e+00 : f32
      %broadcast_in_dim3A_286 = vector.broadcast %jit3A_284 : f32 to vector<1x128xf32>
      %broadcast_in_dim3A_287 = vector.broadcast %jit3A_285 : f32 to vector<1x128xf32>
      %select_n3A_288 = arith.select %lt3A_283, %broadcast_in_dim3A_286, %broadcast_in_dim3A_287 : vector<1x128xi1>, vector<1x128xf32>
      %get3A_289 = arith.constant 0 : index
      %get3A_290 = arith.constant 0 : index
      %get3A_291 = vector.load %arg9[%get3A_289, %get3A_290] : memref<304x8xf32, #tpu.memory_space<vmem>>, vector<304x1xf32>
      %get3A_292 = arith.constant 0 : index
      %get3A_293 = arith.constant 1 : index
      %get3A_294 = vector.load %arg9[%get3A_292, %get3A_293] : memref<304x8xf32, #tpu.memory_space<vmem>>, vector<304x1xf32>
      %get3A_295 = arith.constant 0 : index
      %get3A_296 = arith.constant 2 : index
      %get3A_297 = vector.load %arg9[%get3A_295, %get3A_296] : memref<304x8xf32, #tpu.memory_space<vmem>>, vector<304x1xf32>
      %get3A_298 = arith.constant 0 : index
      %get3A_299 = arith.constant 3 : index
      %get3A_300 = vector.load %arg9[%get3A_298, %get3A_299] : memref<304x8xf32, #tpu.memory_space<vmem>>, vector<304x1xf32>
      %get3A_301 = arith.constant 0 : index
      %get3A_302 = arith.constant 4 : index
      %get3A_303 = vector.load %arg9[%get3A_301, %get3A_302] : memref<304x8xf32, #tpu.memory_space<vmem>>, vector<304x1xf32>
      %max3A_304 = vector.broadcast %get3A_291 : vector<304x1xf32> to vector<304x128xf32>
      %max3A_305 = vector.broadcast %min3A_240 : vector<1x128xf32> to vector<304x128xf32>
      %max3A_306 = arith.maximumf %max3A_304, %max3A_305 : vector<304x128xf32>
      %max3A_307 = vector.broadcast %get3A_294 : vector<304x1xf32> to vector<304x128xf32>
      %max3A_308 = vector.broadcast %min3A_249 : vector<1x128xf32> to vector<304x128xf32>
      %max3A_309 = arith.maximumf %max3A_307, %max3A_308 : vector<304x128xf32>
      %min3A_310 = vector.broadcast %get3A_297 : vector<304x1xf32> to vector<304x128xf32>
      %min3A_311 = vector.broadcast %min3A_258 : vector<1x128xf32> to vector<304x128xf32>
      %min3A_312 = arith.minimumf %min3A_310, %min3A_311 : vector<304x128xf32>
      %min3A_313 = vector.broadcast %get3A_300 : vector<304x1xf32> to vector<304x128xf32>
      %min3A_314 = vector.broadcast %min3A_267 : vector<1x128xf32> to vector<304x128xf32>
      %min3A_315 = arith.minimumf %min3A_313, %min3A_314 : vector<304x128xf32>
      %sub3A_316 = arith.subf %min3A_312, %max3A_306 : vector<304x128xf32>
      %add3A_317 = arith.constant 1.000000e+00 : f32
      %add3A_318 = vector.broadcast %add3A_317 : f32 to vector<304x128xf32>
      %add3A_319 = arith.addf %sub3A_316, %add3A_318 : vector<304x128xf32>
      %max3A_320 = arith.constant 0.000000e+00 : f32
      %max3A_321 = vector.broadcast %max3A_320 : f32 to vector<304x128xf32>
      %max3A_322 = arith.maximumf %max3A_321, %add3A_319 : vector<304x128xf32>
      %sub3A_323 = arith.subf %min3A_315, %max3A_309 : vector<304x128xf32>
      %add3A_324 = arith.constant 1.000000e+00 : f32
      %add3A_325 = vector.broadcast %add3A_324 : f32 to vector<304x128xf32>
      %add3A_326 = arith.addf %sub3A_323, %add3A_325 : vector<304x128xf32>
      %max3A_327 = arith.constant 0.000000e+00 : f32
      %max3A_328 = vector.broadcast %max3A_327 : f32 to vector<304x128xf32>
      %max3A_329 = arith.maximumf %max3A_328, %add3A_326 : vector<304x128xf32>
      %mul3A_330 = arith.mulf %max3A_322, %max3A_329 : vector<304x128xf32>
      %add3A_331 = vector.broadcast %get3A_303 : vector<304x1xf32> to vector<304x128xf32>
      %add3A_332 = vector.broadcast %mul3A_276 : vector<1x128xf32> to vector<304x128xf32>
      %add3A_333 = arith.addf %add3A_331, %add3A_332 : vector<304x128xf32>
      %sub3A_334 = arith.subf %add3A_333, %mul3A_330 : vector<304x128xf32>
      %div3A_335 = arith.divf %mul3A_330, %sub3A_334 : vector<304x128xf32>
      %gt3A = arith.constant 0.699999988 : f32
      %gt3A_336 = vector.broadcast %gt3A : f32 to vector<304x128xf32>
      %gt3A_337 = arith.cmpf ogt, %div3A_335, %gt3A_336 : vector<304x128xf32>
      %lt3A_338 = vector.broadcast %while3A_30 : i32 to vector<304x1xi32>
      %lt3A_339 = arith.cmpi slt, %iota3A_8, %lt3A_338 : vector<304x1xi32>
      %and3A = vector.broadcast %lt3A_339 : vector<304x1xi1> to vector<304x128xi1>
      %and3A_340 = arith.andi %gt3A_337, %and3A : vector<304x128xi1>
      %jit3A_341 = arith.constant 1.000000e+00 : f32
      %jit3A_342 = arith.constant 0.000000e+00 : f32
      %broadcast_in_dim3A_343 = vector.broadcast %jit3A_341 : f32 to vector<304x128xf32>
      %broadcast_in_dim3A_344 = vector.broadcast %jit3A_342 : f32 to vector<304x128xf32>
      %select_n3A_345 = arith.select %and3A_340, %broadcast_in_dim3A_343, %broadcast_in_dim3A_344 : vector<304x128xi1>, vector<304x128xf32>
      %reduce_max3A = arith.constant dense<0xFF800000> : vector<128xf32>
      %reduce_max3A_346 = vector.multi_reduction <maximumf>, %select_n3A_345, %reduce_max3A [0] : vector<304x128xf32> to vector<128xf32>
      %broadcast_in_dim3A_347 = vector.shape_cast %reduce_max3A_346 : vector<128xf32> to vector<1x128xf32>
      %max3A_348 = arith.maximumf %broadcast_in_dim3A_347, %select_n3A_288 : vector<1x128xf32>
      %transpose3A = tpu.transpose %min3A_240, [1, 0] : vector<1x128xf32> -> vector<128x1xf32>
      %transpose3A_349 = tpu.transpose %min3A_249, [1, 0] : vector<1x128xf32> -> vector<128x1xf32>
      %transpose3A_350 = tpu.transpose %min3A_258, [1, 0] : vector<1x128xf32> -> vector<128x1xf32>
      %transpose3A_351 = tpu.transpose %min3A_267, [1, 0] : vector<1x128xf32> -> vector<128x1xf32>
      %transpose3A_352 = tpu.transpose %mul3A_276, [1, 0] : vector<1x128xf32> -> vector<128x1xf32>
      %swap3A_353 = arith.constant 0 : index
      %swap3A_354 = arith.constant 0 : index
      %swap3A_355 = vector.load %arg10[%swap3A_353, %swap3A_354] : memref<128x8xf32, #tpu.memory_space<vmem>>, vector<128x1xf32>
      tpu.vector_store %arg10[%swap3A_353, %swap3A_354], %transpose3A {strides = array<i32>} : memref<128x8xf32, #tpu.memory_space<vmem>>, vector<128x1xf32>,
      %swap3A_356 = arith.constant 0 : index
      %swap3A_357 = arith.constant 1 : index
      %swap3A_358 = vector.load %arg10[%swap3A_356, %swap3A_357] : memref<128x8xf32, #tpu.memory_space<vmem>>, vector<128x1xf32>
      tpu.vector_store %arg10[%swap3A_356, %swap3A_357], %transpose3A_349 {strides = array<i32>} : memref<128x8xf32, #tpu.memory_space<vmem>>, vector<128x1xf32>,
      %swap3A_359 = arith.constant 0 : index
      %swap3A_360 = arith.constant 2 : index
      %swap3A_361 = vector.load %arg10[%swap3A_359, %swap3A_360] : memref<128x8xf32, #tpu.memory_space<vmem>>, vector<128x1xf32>
      tpu.vector_store %arg10[%swap3A_359, %swap3A_360], %transpose3A_350 {strides = array<i32>} : memref<128x8xf32, #tpu.memory_space<vmem>>, vector<128x1xf32>,
      %swap3A_362 = arith.constant 0 : index
      %swap3A_363 = arith.constant 3 : index
      %swap3A_364 = vector.load %arg10[%swap3A_362, %swap3A_363] : memref<128x8xf32, #tpu.memory_space<vmem>>, vector<128x1xf32>
      tpu.vector_store %arg10[%swap3A_362, %swap3A_363], %transpose3A_351 {strides = array<i32>} : memref<128x8xf32, #tpu.memory_space<vmem>>, vector<128x1xf32>,
      %swap3A_365 = arith.constant 0 : index
      %swap3A_366 = arith.constant 4 : index
      %swap3A_367 = vector.load %arg10[%swap3A_365, %swap3A_366] : memref<128x8xf32, #tpu.memory_space<vmem>>, vector<128x1xf32>
      tpu.vector_store %arg10[%swap3A_365, %swap3A_366], %transpose3A_352 {strides = array<i32>} : memref<128x8xf32, #tpu.memory_space<vmem>>, vector<128x1xf32>,
      %max3A_368 = vector.broadcast %transpose3A : vector<128x1xf32> to vector<128x128xf32>
      %max3A_369 = vector.broadcast %min3A_240 : vector<1x128xf32> to vector<128x128xf32>
      %max3A_370 = arith.maximumf %max3A_368, %max3A_369 : vector<128x128xf32>
      %max3A_371 = vector.broadcast %transpose3A_349 : vector<128x1xf32> to vector<128x128xf32>
      %max3A_372 = vector.broadcast %min3A_249 : vector<1x128xf32> to vector<128x128xf32>
      %max3A_373 = arith.maximumf %max3A_371, %max3A_372 : vector<128x128xf32>
      %min3A_374 = vector.broadcast %transpose3A_350 : vector<128x1xf32> to vector<128x128xf32>
      %min3A_375 = vector.broadcast %min3A_258 : vector<1x128xf32> to vector<128x128xf32>
      %min3A_376 = arith.minimumf %min3A_374, %min3A_375 : vector<128x128xf32>
      %min3A_377 = vector.broadcast %transpose3A_351 : vector<128x1xf32> to vector<128x128xf32>
      %min3A_378 = vector.broadcast %min3A_267 : vector<1x128xf32> to vector<128x128xf32>
      %min3A_379 = arith.minimumf %min3A_377, %min3A_378 : vector<128x128xf32>
      %sub3A_380 = arith.subf %min3A_376, %max3A_370 : vector<128x128xf32>
      %add3A_381 = arith.constant 1.000000e+00 : f32
      %add3A_382 = vector.broadcast %add3A_381 : f32 to vector<128x128xf32>
      %add3A_383 = arith.addf %sub3A_380, %add3A_382 : vector<128x128xf32>
      %max3A_384 = arith.constant 0.000000e+00 : f32
      %max3A_385 = vector.broadcast %max3A_384 : f32 to vector<128x128xf32>
      %max3A_386 = arith.maximumf %max3A_385, %add3A_383 : vector<128x128xf32>
      %sub3A_387 = arith.subf %min3A_379, %max3A_373 : vector<128x128xf32>
      %add3A_388 = arith.constant 1.000000e+00 : f32
      %add3A_389 = vector.broadcast %add3A_388 : f32 to vector<128x128xf32>
      %add3A_390 = arith.addf %sub3A_387, %add3A_389 : vector<128x128xf32>
      %max3A_391 = arith.constant 0.000000e+00 : f32
      %max3A_392 = vector.broadcast %max3A_391 : f32 to vector<128x128xf32>
      %max3A_393 = arith.maximumf %max3A_392, %add3A_390 : vector<128x128xf32>
      %mul3A_394 = arith.mulf %max3A_386, %max3A_393 : vector<128x128xf32>
      %add3A_395 = vector.broadcast %transpose3A_352 : vector<128x1xf32> to vector<128x128xf32>
      %add3A_396 = vector.broadcast %mul3A_276 : vector<1x128xf32> to vector<128x128xf32>
      %add3A_397 = arith.addf %add3A_395, %add3A_396 : vector<128x128xf32>
      %sub3A_398 = arith.subf %add3A_397, %mul3A_394 : vector<128x128xf32>
      %div3A_399 = arith.divf %mul3A_394, %sub3A_398 : vector<128x128xf32>
      %swap3A_400 = arith.constant 0 : index
      %swap3A_401 = arith.constant 0 : index
      %swap3A_402 = vector.load %arg8[%swap3A_400, %swap3A_401] : memref<128x128xf32, #tpu.memory_space<vmem>>, vector<128x128xf32>
      tpu.vector_store %arg8[%swap3A_400, %swap3A_401], %div3A_399 {strides = array<i32>} : memref<128x128xf32, #tpu.memory_space<vmem>>, vector<128x128xf32>,
      %while3A_403 = arith.constant 0 : i32
      %while3A_404:3 = scf.while (%while3A_407 = %while3A_403, %while3A_408 = %while3A_30, %while3A_409 = %max3A_348) : (i32, i32, vector<1x128xf32>) -> (i32, i32, vector<1x128xf32>) {
        %lt3A_410 = arith.constant 128 : i32
        %lt3A_411 = arith.cmpi slt, %while3A_407, %lt3A_410 : i32
        %lt3A_412 = arith.constant 300 : i32
        %lt3A_413 = arith.cmpi slt, %while3A_408, %lt3A_412 : i32
        %and3A_414 = arith.andi %lt3A_411, %lt3A_413 : i1
        scf.condition(%and3A_414) %while3A_407, %while3A_408, %while3A_409 : i32, i32, vector<1x128xf32>
      } do {
      ^bb0(%while3A_407: i32, %while3A_408: i32, %while3A_409: vector<1x128xf32>):
        %eq3A_410 = vector.broadcast %while3A_407 : i32 to vector<1x128xi32>
        %eq3A_411 = arith.cmpi eq, %iota3A, %eq3A_410 : vector<1x128xi32>
        %jit3A_412 = arith.constant 0.000000e+00 : f32
        %broadcast_in_dim3A_413 = vector.broadcast %jit3A_412 : f32 to vector<1x128xf32>
        %select_n3A_414 = arith.select %eq3A_411, %while3A_409, %broadcast_in_dim3A_413 : vector<1x128xi1>, vector<1x128xf32>
        %reduce_sum3A = vector.shape_cast %select_n3A_414 : vector<1x128xf32> to vector<1x1x128xf32>
        %reduce_sum3A_415 = arith.constant dense<0.000000e+00> : vector<1xf32>
        %reduce_sum3A_416 = vector.multi_reduction <add>, %reduce_sum3A, %reduce_sum3A_415 [1, 2] : vector<1x1x128xf32> to vector<1xf32>
        %reduce_sum3A_417 = vector.shape_cast %reduce_sum3A_416 : vector<1xf32> to vector<1x1x1xf32>
        %reduce_sum3A_418 = vector.extract %reduce_sum3A_417[0, 0, 0] : f32 from vector<1x1x1xf32>
        %lt3A_419 = arith.constant 5.000000e-01 : f32
        %lt3A_420 = arith.cmpf olt, %reduce_sum3A_418, %lt3A_419 : f32
        %convert_element_type3A_421 = arith.extui %lt3A_420 : i1 to i32
        %cond3A = arith.constant 0 : i32
        %cond3A_422 = arith.cmpi ne, %convert_element_type3A_421, %cond3A : i32
        scf.if %cond3A_422 {
          %get3A_445 = arith.index_cast %while3A_407 : i32 to index
          %get3A_446 = arith.constant 0 : index
          %get3A_447 = vector.load %arg10[%get3A_445, %get3A_446] : memref<128x8xf32, #tpu.memory_space<vmem>>, vector<1x5xf32>
          %swap3A_448 = arith.index_cast %while3A_408 : i32 to index
          %swap3A_449 = arith.constant 0 : index
          %swap3A_450 = vector.load %arg9[%swap3A_448, %swap3A_449] : memref<304x8xf32, #tpu.memory_space<vmem>>, vector<1x5xf32>
          tpu.vector_store %arg9[%swap3A_448, %swap3A_449], %get3A_447 {strides = array<i32>} : memref<304x8xf32, #tpu.memory_space<vmem>>, vector<1x5xf32>,
        } else {
        }
        %get3A_423 = arith.index_cast %while3A_407 : i32 to index
        %get3A_424 = arith.constant 0 : index
        %get3A_425 = vector.load %arg8[%get3A_423, %get3A_424] : memref<128x128xf32, #tpu.memory_space<vmem>>, vector<1x128xf32>
        %gt3A_426 = arith.constant 0.699999988 : f32
        %gt3A_427 = vector.broadcast %gt3A_426 : f32 to vector<1x128xf32>
        %gt3A_428 = arith.cmpf ogt, %get3A_425, %gt3A_427 : vector<1x128xf32>
        %gt3A_429 = vector.broadcast %while3A_407 : i32 to vector<1x128xi32>
        %gt3A_430 = arith.cmpi sgt, %iota3A, %gt3A_429 : vector<1x128xi32>
        %and3A_431 = arith.andi %gt3A_428, %gt3A_430 : vector<1x128xi1>
        %jit3A_432 = arith.constant 1.000000e+00 : f32
        %jit3A_433 = arith.constant 0.000000e+00 : f32
        %broadcast_in_dim3A_434 = vector.broadcast %jit3A_432 : f32 to vector<1x128xf32>
        %broadcast_in_dim3A_435 = vector.broadcast %jit3A_433 : f32 to vector<1x128xf32>
        %select_n3A_436 = arith.select %and3A_431, %broadcast_in_dim3A_434, %broadcast_in_dim3A_435 : vector<1x128xi1>, vector<1x128xf32>
        %max3A_437 = arith.maximumf %while3A_409, %select_n3A_436 : vector<1x128xf32>
        %select_n3A_438 = arith.select %lt3A_420, %max3A_437, %while3A_409 : vector<1x128xf32>
        %jit3A_439 = arith.constant 1 : i32
        %jit3A_440 = arith.constant 0 : i32
        %select_n3A_441 = arith.select %lt3A_420, %jit3A_439, %jit3A_440 : i32
        %add3A_442 = arith.addi %while3A_408, %select_n3A_441 : i32
        %add3A_443 = arith.constant 1 : i32
        %add3A_444 = arith.addi %while3A_407, %add3A_443 : i32
        scf.yield %add3A_444, %add3A_442, %select_n3A_438 : i32, i32, vector<1x128xf32>
      }
      %add3A_405 = arith.constant 1 : i32
      %add3A_406 = arith.addi %while3A_29, %add3A_405 : i32
      scf.yield %add3A_406, %while3A_404#1 : i32, i32
    }
    %convert_element_type3A = arith.sitofp %arg0 : i32 to f32
    %add3A = arith.constant 0.000000e+00 : f32
    %add3A_11 = arith.addf %add3A, %convert_element_type3A : f32
    %broadcast_in_dim3A = arith.constant 0.000000e+00 : f32
    %broadcast_in_dim3A_12 = vector.broadcast %broadcast_in_dim3A : f32 to vector<304x1xf32>
    %add3A_13 = vector.broadcast %add3A_11 : f32 to vector<304x1xf32>
    %add3A_14 = arith.addf %broadcast_in_dim3A_12, %add3A_13 : vector<304x1xf32>
    %lt3A = vector.broadcast %while3A_10#1 : i32 to vector<304x1xi32>
    %lt3A_15 = arith.cmpi slt, %iota3A_8, %lt3A : vector<304x1xi32>
    %get3A_16 = arith.constant 0 : index
    %get3A_17 = arith.constant 0 : index
    %get3A_18 = vector.load %arg9[%get3A_16, %get3A_17] : memref<304x8xf32, #tpu.memory_space<vmem>>, vector<304x4xf32>
    %jit3A = arith.constant 0.000000e+00 : f32
    %broadcast_in_dim3A_19 = vector.shape_cast %lt3A_15 : vector<304x1xi1> to vector<304x1xi1>
    %broadcast_in_dim3A_20 = vector.broadcast %broadcast_in_dim3A_19 : vector<304x1xi1> to vector<304x4xi1>
    %broadcast_in_dim3A_21 = vector.broadcast %jit3A : f32 to vector<304x4xf32>
    %select_n3A = arith.select %broadcast_in_dim3A_20, %get3A_18, %broadcast_in_dim3A_21 : vector<304x4xi1>, vector<304x4xf32>
    %broadcast_in_dim3A_22 = arith.constant 0.000000e+00 : f32
    %broadcast_in_dim3A_23 = vector.broadcast %broadcast_in_dim3A_22 : f32 to vector<304x123xf32>
    %concatenate3A = tpu.concatenate %add3A_14, %select_n3A, %broadcast_in_dim3A_23 in 1 : vector<304x1xf32>, vector<304x4xf32>, vector<304x123xf32> -> vector<304x128xf32>
    %swap3A = arith.constant 0 : index
    %swap3A_24 = arith.constant 0 : index
    %swap3A_25 = arith.constant 0 : index
    %swap3A_26 = vector.load %arg7[%swap3A, %swap3A_24, %swap3A_25] : memref<1x304x128xf32, #tpu.memory_space<vmem>>, vector<1x304x128xf32>
    %swap3A_27 = vector.shape_cast %swap3A_26 : vector<1x304x128xf32> to vector<304x128xf32>
    %swap3A_28 = vector.shape_cast %concatenate3A : vector<304x128xf32> to vector<1x304x128xf32>
    tpu.vector_store %arg7[%swap3A, %swap3A_24, %swap3A_25], %swap3A_28 {strides = array<i32>} : memref<1x304x128xf32, #tpu.memory_space<vmem>>, vector<1x304x128xf32>,
    return
  }
  func.func @transform_0(%arg0: i32) -> (i32, i32) {
    %c0_i32 = arith.constant 0 : i32
    %c0_i32_0 = arith.constant 0 : i32
    %c0_i32_1 = arith.constant 0 : i32
    return %c0_i32, %c0_i32_0 : i32, i32
  }
  func.func @transform_1(%arg0: i32) -> (i32, i32, i32) {
    %c0_i32 = arith.constant 0 : i32
    %c0_i32_0 = arith.constant 0 : i32
    %c0_i32_1 = arith.constant 0 : i32
    return %arg0, %c0_i32, %c0_i32_0 : i32, i32, i32
  }
  func.func @transform_2(%arg0: i32) -> (i32, i32, i32) {
    %c0_i32 = arith.constant 0 : i32
    %c0_i32_0 = arith.constant 0 : i32
    %c0_i32_1 = arith.constant 0 : i32
    return %arg0, %c0_i32, %c0_i32_0 : i32, i32, i32
  }
  func.func @transform_3(%arg0: i32) -> (i32, i32, i32) {
    %c0_i32 = arith.constant 0 : i32
    %c0_i32_0 = arith.constant 0 : i32
    %c0_i32_1 = arith.constant 0 : i32
    return %arg0, %c0_i32, %c0_i32_0 : i32, i32, i32
  }
  func.func @transform_4(%arg0: i32) -> (i32, i32, i32) {
    %c0_i32 = arith.constant 0 : i32
    %c0_i32_0 = arith.constant 0 : i32
    %c0_i32_1 = arith.constant 0 : i32
    return %arg0, %c0_i32, %c0_i32_0 : i32, i32, i32
  }
  func.func @transform_5(%arg0: i32) -> (i32, i32, i32) {
    %c0_i32 = arith.constant 0 : i32
    %c0_i32_0 = arith.constant 0 : i32
    %c0_i32_1 = arith.constant 0 : i32
    return %arg0, %c0_i32, %c0_i32_0 : i32, i32, i32
  }
  func.func @transform_6(%arg0: i32) -> (i32, i32, i32) {
    %c0_i32 = arith.constant 0 : i32
    %c0_i32_0 = arith.constant 0 : i32
    %c0_i32_1 = arith.constant 0 : i32
    return %arg0, %c0_i32, %c0_i32_0 : i32, i32, i32
  }
}

</mosaic_0001>

<sc_bundles>
// kernel: gather_offload_async_start
scs
__scs_entry_jumppad:
0x0: {  	(pc) =	sbr.rel $0x88, $3  }
0x1: {  	(tag) =	ssettag $0x0;
	lr =	simm.s32 $0x1  }
0x2: {  	[smem:$0x3F9E] =	sst lr;
	_ =	strace $0xD0000000  }
0x3: {  	_ = 	snop  }
0x4: {  	_ = 	snop  }
0x5: {  	_ = 	snop  }
0x6: {  	_ = 	snop  }
0x7: {  	_ = 	snop  }
__scs_overlays_trampoline_lowered:
0x8: {  	[smem:$0x3FAD] =	sst s0  }
0x9: {  	[smem:$0x3FAE] =	sst s1  }
0xa: {  	[smem:$0x3FAF] =	sst s2  }
0xb: {  	[smem:$0x3FB0] =	sst s3  }
0xc: {  	[smem:$0x3FB1] =	sst s4  }
0xd: {  	[smem:$0x3FB2] =	sst s5  }
0xe: {  	[smem:$0x3FB3] =	sst s6  }
0xf: {  	[smem:$0x3FB4] =	sst s7  }
0x10: {  	[smem:$0x3FB5] =	sst s8  }
0x11: {  	[smem:$0x3FB6] =	sst s9;
	s0 =	simm.s32 @!p0 $0x0  }
0x12: {  	s1 =	sld [smem:$0x3F9C];
	s0 =	simm.s32 @p0 $0x1  }
0x13: {  	[smem:$0x3FB7] =	sst s0;
	s0 =	simm.s32 @!p1 $0x0  }
0x14: {  	s2 =	sld [smem:$0x3F9B];
	s0 =	simm.s32 @p1 $0x1  }
0x15: {  	[smem:$0x3FB8] =	sst s0;
	s0 =	simm.s32 @!p2 $0x0  }
0x16: {  	s3 =	sld [smem:$0x3FDB];
	s0 =	simm.s32 @p2 $0x1  }
0x17: {  	s4 =	simm.s32 $0x1BF5;
	[smem:$0x3FBA] =	sst s0  }
0x18: {  	s0 =	sld [smem:$0x3F9D];
	_ =	swait.ge [sflag:s4], $0x0  }
0x19: {  	s7 =	sld [smem:$0x3F9E]  }
0x1a: {  	s8 =	sadd.s32 $0xFFFFE003, lr  }
0x1b: {  	s9 =	sadd.s32 $0xFFFFFEF7, lr;
	s5 =	simm.s32 $0xFFFFFFFF;
	p2 =	slt.u32 s8, $0xFFFFF086  }
0x1c: {  	p1 =	slt.u32 s9, $0xF7A;
	s5 =	simm.s32 @!p2 $0x0  }
0x1d: {  	s5 =	simm.s32 @p1 $0x1;
	p0 =	seq.s32 s7, s2  }
0x1e: {  	s7 =	smul.u32 @!p0 $0xF7A, s2;
	p2 =	seq.s32 @!p0 s5, $0x0  }
0x1f: {  	s9 =	smul.u32 $0xF7A, s1;
	s8 =	simm.s32 @!p0 $0x1BF5;
	p2 =	por !p2, p0  }
0x20: {  	[sflag:s8] =	ssyncset.s32 @!p0 $0xFFFFF086;
	s6 =	sadd.s32 @!p0 s3, s7;
	s7 =	simm.s32 @!p0 $0x108  }
0x21: {  	s3 =	sadd.s32 s3, s9;
	s6 =	sadd.s32 @!p0 $0x88, s6;
	s7 =	simm.s32 @p2 $0x1082  }
0x22: {  	[simem:s7], [sflag:s8] =	dma.local @!p0 [hbm:s6], $0xF7A  }
0x23: {  	s9 =	sor.u32 $0xD0000000, s2;
	s6 =	simm.s32 $0x108;
	_ =	swait.ge @!p0 [sflag:s8], $0x0  }
0x24: {  	s3 =	sadd.s32 $0x88, s3;
	s6 =	simm.s32 @!p1 $0x1082;
	[sflag:s4] =	ssyncset.s32 $0xFFFFF086  }
0x25: {  	[simem:s6], [sflag:s4] =	dma.local [hbm:s3], $0xF7A  }
0x26: {  	[smem:$0x3F9E] =	sst s1;
	(tag) =	ssettag s2;
	_ =	strace s9  }
0x27: {  	s1 =	sld [smem:$0x3FAE]  }
0x28: {  	s2 =	sld [smem:$0x3FAF]  }
0x29: {  	s4 =	sld [smem:$0x3FB1]  }
0x2a: {  	p0 =	seq.s32 s5, $0x0;
	s5 =	sld [smem:$0x3FB2]  }
0x2b: {  	s6 =	sld [smem:$0x3FB3]  }
0x2c: {  	s7 =	sld [smem:$0x3FB4]  }
0x2d: {  	s3 =	simm.s32 $0x108;
	s8 =	sld [smem:$0x3FB5]  }
0x2e: {  	s3 =	simm.s32 @!p0 $0x1082;
	s9 =	sld [smem:$0x3FB6]  }
0x2f: {  	lr =	sadd.s32 s0, s3;
	s0 =	sld [smem:$0x3FAD]  }
0x30: {  	s3 =	sld [smem:$0x3FB0]  }
0x31: {  	[smem:$0x3FB9] =	sst s10  }
0x32: {  	s10 =	sld [smem:$0x3FB7];
	_ =	sdelay $0x3  }
0x33: {  	p0 =	seq.s32 s10, $0x1;
	s10 =	sld [smem:$0x3FB9];
	_ =	sdelay $0x3  }
0x34: {  	[smem:$0x3FB9] =	sst s10  }
0x35: {  	s10 =	sld [smem:$0x3FB8];
	_ =	sdelay $0x3  }
0x36: {  	p1 =	seq.s32 s10, $0x1;
	s10 =	sld [smem:$0x3FB9];
	_ =	sdelay $0x3  }
0x37: {  	[smem:$0x3FB9] =	sst s10  }
0x38: {  	s10 =	sld [smem:$0x3FBA]  }
0x39: {  	_ = 	snop;
	(pc) =	sbr.ind lr, $3  }
0x3a: {  	_ = 	snop  }
0x3b: {  	_ = 	snop  }
0x3c: {  	p2 =	seq.s32 s10, $0x1;
	s10 =	sld [smem:$0x3FB9]  }
0x3d: {  	_ =	shalt  }
0x3e: {  	_ =	shalt  }
0x3f: {  	_ =	shalt  }
0x40: {  	_ =	shalt  }
0x41: {  	_ =	shalt  }
0x42: {  	_ =	shalt  }
0x43: {  	_ =	shalt  }
0x44: {  	_ =	shalt  }
0x45: {  	_ =	shalt  }
0x46: {  	_ =	shalt  }
0x47: {  	_ =	shalt  }
0x48: {  	_ =	shalt  }
0x49: {  	_ =	shalt  }
0x4a: {  	_ =	shalt  }
0x4b: {  	_ =	shalt  }
0x4c: {  	_ =	shalt  }
0x4d: {  	_ =	shalt  }
0x4e: {  	_ =	shalt  }
0x4f: {  	_ =	shalt  }
0x50: {  	_ =	shalt  }
0x51: {  	_ =	shalt  }
0x52: {  	_ =	shalt  }
0x53: {  	_ =	shalt  }
0x54: {  	_ =	shalt  }
0x55: {  	_ =	shalt  }
0x56: {  	_ =	shalt  }
0x57: {  	_ =	shalt  }
0x58: {  	_ =	shalt  }
0x59: {  	_ =	shalt  }
0x5a: {  	_ =	shalt  }
0x5b: {  	_ =	shalt  }
0x5c: {  	_ =	shalt  }
0x5d: {  	_ =	shalt  }
0x5e: {  	_ =	shalt  }
0x5f: {  	_ =	shalt  }
0x60: {  	_ =	shalt  }
0x61: {  	_ =	shalt  }
0x62: {  	_ =	shalt  }
0x63: {  	_ =	shalt  }
0x64: {  	_ =	shalt  }
0x65: {  	_ =	shalt  }
0x66: {  	_ =	shalt  }
0x67: {  	_ =	shalt  }
0x68: {  	_ =	shalt  }
0x69: {  	_ =	shalt  }
0x6a: {  	_ =	shalt  }
0x6b: {  	_ =	shalt  }
0x6c: {  	_ =	shalt  }
0x6d: {  	_ =	shalt  }
0x6e: {  	_ =	shalt  }
0x6f: {  	_ =	shalt  }
0x70: {  	_ =	shalt  }
0x71: {  	_ =	shalt  }
0x72: {  	_ =	shalt  }
0x73: {  	_ =	shalt  }
0x74: {  	_ =	shalt  }
0x75: {  	_ =	shalt  }
0x76: {  	_ =	shalt  }
0x77: {  	_ =	shalt  }
0x78: {  	_ =	shalt  }
0x79: {  	_ =	shalt  }
0x7a: {  	_ =	shalt  }
0x7b: {  	_ =	shalt  }
0x7c: {  	_ =	shalt  }
0x7d: {  	_ =	shalt  }
0x7e: {  	_ =	shalt  }
0x7f: {  	_ =	shalt  }
0x80: {  	_ =	shalt  }
0x81: {  	_ =	shalt  }
0x82: {  	_ =	shalt  }
0x83: {  	_ =	shalt  }
0x84: {  	_ =	shalt  }
0x85: {  	_ =	shalt  }
0x86: {  	_ =	shalt  }
0x87: {  	_ =	shalt  }
.Lfunc_end0:
.L_simem_size_0:
called_computation_lowered:
.L_overlay_start_0:
0x88: {  	s2 =	sld [smem:$0x3FD9]  }
0x89: {  	s3 =	sld [smem:$0x3FFE];
	_ =	sdelay $0x1  }
0x8a: {  	s1 =	srdreg.scid  }
0x8b: {  	s0 =	sand.u32 $0x1, s1  }
0x8c: {  	s16 =	sshll.u32 s0, $0xA;
	s2 =	sadd.s32 s3, s2  }
0x8d: {  	s2 =	sadd.s32 s2, s16  }
0x8e: {  	[smem:$0x3FC5] =	sst s2  }
0x8f: {  	_ = 	snop  }
0x90: {  	(tm) =	ssettm $0x1  }
0x91: {  	s17 =	sld [smem:$0x3FFB];
	_ =	sdelay $0x3  }
0x92: {  	_ =	strace s17  }
0x93: {  	s2 =	sld [smem:$0x3FFC];
	_ =	sdelay $0x3  }
0x94: {  	_ =	strace s2  }
0x95: {  	s2 =	sld [smem:$0x3FFD];
	_ =	sdelay $0x3  }
0x96: {  	_ =	strace s2  }
0x97: {  	_ =	strace $0x8FFFFFFF  }
0x98: {  	s18 =	sld [smem:$0x3FDB];
	_ =	sdelay $0x1  }
0x99: {  	s19 =	simm.s32 $_scs_section_size  }
0x9a: {  	s4 =	simm.s32 $_size__tile_overlayer_lowered;
	s5 =	simm.s32 $_tile_overlayer_lowered  }
0x9b: {  	s22 =	simm.s32 $0x1BFF;
	s21 =	sshll.u32 s5, $0x1;
	s2 =	sadd.s32 s19, s18  }
0x9c: {  	s6 =	simm.s32 $0x0;
	s20 =	sshll.u32 s4, $0x1;
	s4 =	sadd.s32 s21, s2  }
0x9d: {  	[timem:s6], [sflag:s22] =	dma.local [hbm:s4], s20  }
0x9e: {  	_ =	swait.ge [sflag:s22], s20  }
0x9f: {  	s3 =	ssub.s32 $0x0, s20;
	[sflag:s22] =	ssyncset.done $0x0  }
0xa0: {  	[sflag:s22] =	ssyncadd.s32 s3;
	_ =	sdelay $0x1  }
0xa1: {  	s23 =	simm.s32 $0x1B8B  }
0xa2: {  	_ =	swait.ge [sflag:s23], $0x1  }
0xa3: {  	[sflag:s23] =	ssyncset.done $0x0  }
0xa4: {  	s25 =	simm.s32 $0x1B8E;
	s24 =	sld [smem:$0x3FFE];
	[sflag:s23] =	ssyncadd.s32 $0xFFFFFFFF  }
0xa5: {  	s26 =	simm.s32 $execute0_lowered;
	[smem:$0x3FD2] =	sst s25  }
0xa6: {  	s4 =	sshll.u32 s26, $0x1;
	_ =	strace $0x80000046;
	[dreg:$0x1] =	wrdreg $0xFFFFFFFF  }
0xa7: {  	s28 =	simm.s32 $_size_execute0_lowered;
	s2 =	sadd.s32 s2, s4;
	[dreg:$0x0] =	wrdreg $0x0  }
0xa8: {  	s4 =	sshll.u32 s28, $0x1;
	[dreg:$0x2] =	wrdreg s2  }
0xa9: {  	[dreg:$0x3] =	wrdreg s4  }
0xaa: {  	[dreg:$0x4] =	wrdreg $0xC0  }
0xab: {  	_ =	task [dreg:s6], $0x5FFFF  }
0xac: {  	[dreg:$0x1] =	wrdreg $0xFFFFFFFF  }
0xad: {  	[dreg:$0x0] =	wrdreg $0x60  }
0xae: {  	[dreg:$0x2] =	wrdreg s24  }
0xaf: {  	[dreg:$0x3] =	wrdreg $0x9  }
0xb0: {  	_ =	task.clear_ibuf [dreg:s6], $0x4FFFF;
	_ =	strace $0x90000046  }
0xb1: {  	s29 =	simm.s32 $0x9;
	_ =	strace $0x80000048  }
0xb2: {  	_ =	swait.ge [sflag:s29], $0x1  }
0xb3: {  	[sflag:s29] =	ssyncadd.s32 $0xFFFFFFFF  }
0xb4: {  	_ =	strace $0x90000048  }
0xb5: {  	_ =	sfence  }
0xb6: {  	s30 =	sld [smem:$0x0];
	_ =	sdelay $0x2  }
0xb7: {  	s31 =	sshll.u32 s1, $0xD;
	s1 =	sshrl.u32 s1, $0x2  }
0xb8: {  	s3 =	sand.u32 $0x4000, s31;
	s1 =	sadd.s32 s1, s30  }
0xb9: {  	s0 =	sor.u32 s3, s0;
	s1 =	sshll.u32 s1, $0x11  }
0xba: {  	s0 =	sor.u32 s1, s0  }
0xbb: {  	s0 =	sadd.s32 $0x8F2B, s0  }
0xbc: {  	[sflag:s0] =	ssyncadd.remote.s32 $0x1  }
0xbd: {  	_ =	sfence.sel $0xFFFF  }
0xbe: {  	[dreg:$0x0] =	wrdreg $0xFFFFFFFF;
	(pc) =	sbr.abs _section_cstart, $3  }
0xbf: {  	[dreg:$0x1] =	wrdreg $0xFFFFFFFF  }
0xc0: {  	_ =	task.clear_ibuf [dreg:s6], $0x2FFFF;
	_ =	strace $0x9FFFFFFF  }
0xc1: {  	(tm) =	ssettm $0x7FFFFFFF  }
tec
execute0_lowered:
.L_overlay_start_1:
0x0: {  	(tag) =	ssettag $0x1  }
0x1: {  	s0 =	srdreg.scid;
	s2 =	rddreg [dreg:$0x0]  }
0x2: {  	s1 =	stileid.u32;
	s5 =	simm.s32 $0x2;
	s9 =	simm.s32 $0x3  }
0x3: {  	s3 =	sshll.u32 s0, $0x4;
	s0 =	rddreg [dreg:$0x1];
	_ =	strace $0x80000047  }
.Ltmp0:
0x4: {  	s4 =	sand.u32 $0x10, s3;
	s3 =	simm.s32 $0x1;
	(pc) =	sbr.rel .LBB2_1-.Ltmp0, $4  }
0x5: {  	s11 =	simm.s32 $0x0;
	s4 =	sor.u32 s1, s4;
	[sflag:s3] =	ssyncpa.u1 $0x0  }
0x6: {  	p0 =	por $0x0, $0x0;
	s4 =	smul.u32 $0x2F0, s4;
	[sflag:s5] =	ssyncpa.u1 $0x0  }
0x7: {  	s6 =	sadd.s32 $0xC00, s2;
	s7 =	sadd.s32 $0x240C00, s2;
	[sflag:s9] =	ssyncpa.u1 $0x0  }
0x8: {  	vm0 =	vmmov $0xff;
	vm1 =	vcmask $0x3F20;
	s9 =	simm.s32 $0x0;
	s8 =	sadd.s32 $0x2F0, s4;
	s10 =	smov.u32 s4  }
.LBB2_6:
0x9: {  	[hbm:s15] =	stream.linear.scatter [tilespmem:s12], [sflag:$0x3], $0x400, $0x38;
	[tilespmem:$0x17AF0] =	vst v63  }
.LBB2_7:
0xa: {  	p1 =	slt.u32 s9, $0x2;
	s11 =	sadd.s32 $0x178, s10  }
0xb: {  	s13 =	smov.u32 s4;
	s9 =	sadd.s32 $0x1, s9;
	p2 =	slt.s32 s11, s8  }
0xc: {  	s13 =	smov.u32 @p2 s11;
	p2 =	sne.s32 s9, $0x4  }
.Ltmp1:
0xd: {  	_ = 	snop;
	(pc) =	sbr.rel @!p2 .LBB2_8-.Ltmp1, $4  }
0xe: {  	s12 =	simm.s32 @!p1 $0x3  }
0xf: {  	_ =	swait.ge @!p1 [sflag:s12], $0xBC00  }
0x10: {  	p0 =	por !p0, !p0;
	[sflag:s12] =	ssyncset.done @!p1 $0x0  }
0x11: {  	s11 =	smov.u32 s10;
	s10 =	smov.u32 s13;
	[sflag:s12] =	ssyncadd.s32 @!p1 $0xFFFF4400  }
.LBB2_1:
0x12: {  	p1 =	sgt.u32 s9, $0x1  }
0x13: {  	s12 =	sxor.u32 @!p1 $0x1, s9  }
0x14: {  	s12 =	smul.u32 @!p1 $0x5E0, s12  }
0x15: {  	s31 =	sadd.s32 $0xFFFFFFFF, s9;
	s13 =	sshrl.u32 @!p1 s10, $0x3  }
0x16: {  	s14 =	sand.u32 @!p1 $0x7, s10;
	s13 =	sadd.s32 @!p1 s2, s13;
	s12 =	sshra.s32 @!p1 s12, $0x2  }
0x17: {  	[tilespmem:s12], [sflag:$0x2] =	stream.linear.gather @!p1 [hbm4b:s13+s14], $0x178, $0x38;
	[tilespmem:$0x17AF0] =	vst v63  }
0x18: {  	p1 =	sgt.u32 s31, $0x1  }
.Ltmp2:
0x19: {  	_ = 	snop;
	(pc) =	sbr.rel @p1 .LBB2_7-.Ltmp2, $1  }
0x1a: {  	_ =	sdelay $0x3  }
0x1b: {  	s12 =	simm.s32 $0x1  }
0x1c: {  	s12 =	simm.s32 @!p0 $0x0  }
0x1d: {  	s13 =	smul.u32 $0x5E0, s12  }
0x1e: {  	_ =	swait.ge [sflag:s5], $0x178  }
0x1f: {  	[sflag:s5] =	ssyncset.done $0x0;
	s15 =	sshrl.u32 s13, $0x2  }
0x20: {  	[sflag:s5] =	ssyncadd.s32 $0xFFFFFE88;
	s13 =	sadd.s32 $0x0, s15  }
0x21: {  	v0 =	vld.msk [tilespmem:s13+$0x0 ss:$0x1], $0xffff;
	_ =	sdelay $0x4  }
0x22: {  	v1 =	vand.u32 $0x3, v0;
	v2 =	vshll.u32 v0, $0x5  }
0x23: {  	vm2 =	veq.s32 v0, $0x80000000;
	v0 =	vmul.u32 $0x480000, v1;
	v1 =	vand.u32 $0x7FFF80, v2  }
0x24: {  	v1 =	vsel vm2, $0xFFFFFF80, v1  }
0x25: {  	v0 =	vsel vm2, $0xFFB80000, v0;
	v2 =	vand.u32 $0xFFFFFC00, v1  }
0x26: {  	v1 =	vand.u32 $0x380, v1;
	v0 =	vadd.s32 v0, v2  }
0x27: {  	v0 =	vor.u32 v1, v0  }
0x28: {  	v0 =	vshrl.u32 v0, $0x3  }
0x29: {  	s12 =	smul.u32 $0x2F000, s12  }
0x2a: {  	s31 =	sand.u32 $0x1, s9  }
0x2b: {  	s14 =	smul.u32 $0x5E0, s31;
	s12 =	sshrl.u32 s12, $0x2  }
0x2c: {  	s17 =	smul.u32 $0x2F000, s31;
	s12 =	sor.u32 $0x2F0, s12  }
0x2d: {  	[tilespmem:s12], [sflag:$0x1] =	stream.indirect_vreg.gather [hbm:s6], $0x80, v0, vm0, $0x38;
	[tilespmem:$0x17AF0] =	vst v63  }
0x2e: {  	s16 =	sshrl.u32 s14, $0x2;
	s18 =	sadd.s32 $0x10, s15;
	s13 =	sadd.s32 $0x400, s12  }
0x2f: {  	[tilespmem:s13], [sflag:$0x1] =	stream.indirect_vreg.gather [hbm:s6], $0x80, v0, vm1, $0x38;
	[tilespmem:$0x17AF0] =	vst v63  }
0x30: {  	s14 =	sshrl.u32 s17, $0x2;
	s17 =	smov.u32 s12;
	v0 =	vld.msk [tilespmem:s18+$0x0 ss:$0x1], $0xffff;
	s18 =	simm.s32 $0x80  }
.LBB2_3:
0x31: {  	p1 =	sne.s32 s18, $0x580;
	_ =	sdelay $0x4  }
0x32: {  	v1 =	vand.u32 $0x3, v0;
	v2 =	vshll.u32 v0, $0x5  }
0x33: {  	vm2 =	veq.s32 v0, $0x80000000;
	v0 =	vmul.u32 $0x480000, v1;
	v1 =	vand.u32 $0x7FFF80, v2  }
0x34: {  	v1 =	vsel vm2, $0xFFFFFF80, v1  }
0x35: {  	v0 =	vsel vm2, $0xFFB80000, v0;
	v2 =	vand.u32 $0xFFFFFC00, v1  }
0x36: {  	v1 =	vand.u32 $0x380, v1;
	v0 =	vadd.s32 v0, v2  }
0x37: {  	v0 =	vor.u32 v1, v0  }
0x38: {  	v0 =	vshrl.u32 v0, $0x3;
	_ =	sdelay $0x3  }
.Ltmp3:
0x39: {  	s19 =	sshra.s32 s18, $0x2;
	s17 =	sadd.s32 $0x800, s17;
	(pc) =	sbr.rel @p1 .LBB2_3-.Ltmp3, $4  }
0x3a: {  	[tilespmem:s17], [sflag:$0x1] =	stream.indirect_vreg.gather [hbm:s6], $0x80, v0, vm0, $0x38;
	[tilespmem:$0x17AF0] =	vst v63  }
0x3b: {  	s19 =	sadd.s32 s19, s15;
	s20 =	sadd.s32 $0x400, s17  }
0x3c: {  	[tilespmem:s20], [sflag:$0x1] =	stream.indirect_vreg.gather [hbm:s6], $0x80, v0, vm1, $0x38;
	[tilespmem:$0x17AF0] =	vst v63  }
0x3d: {  	s18 =	sadd.s32 $0x40, s18;
	v0 =	vld.msk [tilespmem:s19+$0x0 ss:$0x1], $0xffff  }
0x3e: {  	_ =	sdelay $0x3  }
0x3f: {  	v1 =	vand.u32 $0x3, v0;
	v2 =	vshll.u32 v0, $0x5  }
0x40: {  	vm2 =	veq.s32 v0, $0x80000000;
	v56 =	vmul.u32 $0x480000, v1;
	v57 =	vand.u32 $0x7FFF80, v2  }
0x41: {  	v1 =	vsel vm2, $0xFFFFFF80, v57  }
0x42: {  	v0 =	vsel vm2, $0xFFB80000, v56;
	v58 =	vand.u32 $0xFFFFFC00, v1  }
0x43: {  	v1 =	vand.u32 $0x380, v1;
	v0 =	vadd.s32 v0, v58  }
0x44: {  	v0 =	vor.u32 v1, v0  }
0x45: {  	v0 =	vshrl.u32 v0, $0x3;
	_ =	sdelay $0x3  }
0x46: {  	s15 =	sadd.s32 $0x800, s17  }
0x47: {  	[tilespmem:s15], [sflag:$0x1] =	stream.indirect_vreg.gather [hbm:s6], $0x80, v0, vm0, $0x38;
	[tilespmem:$0x17AF0] =	vst v63  }
0x48: {  	s15 =	sadd.s32 $0x400, s15  }
0x49: {  	[tilespmem:s15], [sflag:$0x1] =	stream.indirect_vreg.gather [hbm:s6], $0x80, v0, vm1, $0x38;
	[tilespmem:$0x17AF0] =	vst v63  }
0x4a: {  	v0 =	vld.msk [tilespmem:s16+$0x170 ss:$0x1], $0xff;
	_ =	sdelay $0x4  }
0x4b: {  	v59 =	vand.u32 $0x3, v0;
	v60 =	vshll.u32 v0, $0x5  }
0x4c: {  	vm2 =	veq.s32 v0, $0x80000000;
	v61 =	vmul.u32 $0x480000, v59;
	v62 =	vand.u32 $0x7FFF80, v60  }
0x4d: {  	v1 =	vsel vm2, $0xFFFFFF80, v62  }
0x4e: {  	v0 =	vsel vm2, $0xFFB80000, v61;
	v63 =	vand.u32 $0xFFFFFC00, v1  }
0x4f: {  	v1 =	vand.u32 $0x380, v1;
	v0 =	vadd.s32 v0, v63  }
0x50: {  	v0 =	vor.u32 v1, v0  }
0x51: {  	v0 =	vshrl.u32 v0, $0x3;
	_ =	sdelay $0x3  }
0x52: {  	s14 =	sadd.s32 $0xBAF0, s14  }
0x53: {  	[tilespmem:s14], [sflag:$0x1] =	stream.indirect_vreg.gather [hbm:s6], $0x80, v0, vm0, $0x38;
	[tilespmem:$0x17AF0] =	vst v63  }
0x54: {  	s11 =	sshll.u32 s11, $0x4;
	_ =	swait.ge [sflag:s3], $0xBC00  }
0x55: {  	s11 =	sadd.s32 s11, s7;
	[sflag:s3] =	ssyncset.done $0x0  }
0x56: {  	s15 =	sadd.s32 $0x0, s11;
	s14 =	simm.s32 $0x80;
	[sflag:s3] =	ssyncadd.s32 $0xFFFF4400  }
.LBB2_5:
0x57: {  	[hbm:s15] =	stream.linear.scatter [tilespmem:s12], [sflag:$0x3], $0x400, $0x38;
	[tilespmem:$0x17AF0] =	vst v63  }
0x58: {  	s15 =	smov.u32 s14;
	s12 =	smov.u32 s13;
	p1 =	sne.s32 s14, $0x1700  }
.Ltmp4:
0x59: {  	s14 =	sadd.s32 $0x80, s14;
	(pc) =	sbr.rel @p1 .LBB2_5-.Ltmp4, $2  }
0x5a: {  	_ =	sdelay $0x2  }
0x5b: {  	s13 =	sadd.s32 $0x400, s13;
	s15 =	sadd.s32 s15, s11  }
.Ltmp5:
0x5c: {  	_ = 	snop;
	(pc) =	sbr.rel .LBB2_6-.Ltmp5, $1  }
0x5d: {  	_ =	sdelay $0x3  }
.LBB2_8:
0x5e: {  	_ =	sfence.sel $0x180000  }
0x5f: {  	s2 =	simm.s32 $0x2;
	[bflag:$0x0] =	sbarrier.arrive $0xFFFF  }
0x60: {  	s30 =	simm.s32 $0x3;
	[sflag:s2] =	ssyncpa.u1 $0x1  }
0x61: {  	s31 =	simm.s32 $0x1;
	[sflag:s30] =	ssyncpa.u1 $0x1  }
0x62: {  	[sflag:s31] =	ssyncpa.u1 $0x1  }
0x63: {  	p0 =	sne.s32 s1, $0x0;
	_ =	strace $0x90000047  }
0x64: {  	s0 =	sadd.s32 @!p0 $0x100000, s0;
	[bflag:$0x2] =	sbarrier.arrive $0xFFFF  }
0x65: {  	[sflag:s0] =	ssyncadd.tile.s32 @!p0 $0x1;
	_ =	shalt  }
.Lfunc_end2:
_tile_overlayer_lowered:
.L_overlay_start_2:
0x66: {  	(tag) =	ssettag $0x2  }
0x67: {  	s0 =	rddreg [dreg:$0x0];
	s2 =	stileid.u32  }
0x68: {  	s1 =	rddreg [dreg:$0x1];
	p0 =	sne.s32 s2, $0x0  }
0x69: {  	s3 =	rddreg [dreg:$0x2];
	[bflag:$0x3] =	sbarrier.arrive $0xFFFF;
	s2 =	simm.s32 @!p0 $0x1C01  }
0x6a: {  	[timem:s3], [sflag:s2] =	dma.local @!p0 [hbm:s0], s1  }
0x6b: {  	s0 =	simm.s32 @!p0 $0x1  }
0x6c: {  	_ =	swait.ge @!p0 [sflag:s0], s1  }
0x6d: {  	s1 =	ssub.s32 @!p0 $0x0, s1;
	[sflag:s0] =	ssyncset.done @!p0 $0x0  }
0x6e: {  	[sflag:s0] =	ssyncadd.s32 @!p0 s1  }
0x6f: {  	[bflag:$0x3] =	sbarrier.arrive $0xFFFF  }
0x70: {  	_ =	shalt  }

</sc_bundles>
